<compile_context>
chip_gen: v7x
topology: tpu7x:2x2x1
jax: 0.10.2.dev20260603
libtpu: 0.0.44.dev20260713+nightly
codegen_flags: <defaults>
</compile_context>

<pallas_src>
import functools
import jax
import jax.numpy as jnp
from jax import lax
from jax.experimental import pallas as pl
from jax.experimental.pallas import tpu as pltpu
from jax.experimental.pallas import tpu_sc as plsc

_V = 1000000
_CH = 2048
_NW = 32
_NCHUNK = _V // _CH
_REM_OFF = _NCHUNK * _CH
_REM = 512
_TAIL_OFF = _REM_OFF + _REM
_PER_ROW = 2 * _NCHUNK
_NQ = 2 * _PER_ROW // _NW


def _scale_rows(tbuf, wbuf, ncols):

    def body(i, _):
        for r in range(8):
            sl = pl.ds(i * 16, 16)
            wv = jnp.maximum(wbuf[r, sl], 0.0) + 1e-9
            tbuf[r, sl] = tbuf[r, sl] * wv
        return 0

    lax.fori_loop(0, ncols // 16, body, 0)


def _sc_body(tt, wt, out, tbuf, wbuf, tsem, wsem, osem):
    cid = lax.axis_index("c")
    sid = lax.axis_index("s")
    wid = sid * 2 + cid

    def slices(j):
        q = j * _NW + wid
        c = q // _PER_ROW
        r = q % _PER_ROW
        tr = r // _NCHUNK
        off = (r % _NCHUNK) * _CH
        return c, pl.ds(tr * 8, 8), pl.ds(off, _CH)

    def start_in(j):
        c, rs, ls = slices(j)
        b = j % 2
        pltpu.make_async_copy(tt.at[c, rs, ls], tbuf.at[b], tsem.at[b]).start()

        @pl.when(c == 1)
        def _():
            pltpu.make_async_copy(wt.at[rs, ls], wbuf.at[b], wsem.at[b]).start()

    start_in(0)

    def main(j, _):
        c, rs, ls = slices(j)
        b = j % 2

        @pl.when(j + 1 < _NQ)
        def _prefetch():
            @pl.when(j >= 1)
            def _():
                cp, rsp, lsp = slices(j - 1)
                bp = (j - 1) % 2
                pltpu.make_async_copy(
                    tbuf.at[bp], out.at[cp, rsp, lsp], osem.at[bp]).wait()

            start_in(j + 1)

        pltpu.make_async_copy(tt.at[c, rs, ls], tbuf.at[b], tsem.at[b]).wait()

        @pl.when(c == 1)
        def _mul():
            pltpu.make_async_copy(wt.at[rs, ls], wbuf.at[b], wsem.at[b]).wait()

        pltpu.make_async_copy(tbuf.at[b], out.at[c, rs, ls], osem.at[b]).start()
        return 0

    lax.fori_loop(0, _NQ, main, 0)

    for j in (_NQ - 2, _NQ - 1):
        c, rs, ls = slices(j)
        pltpu.make_async_copy(tbuf.at[j % 2], out.at[c, rs, ls], osem.at[j % 2]).wait()

    @pl.when(wid < 4)
    def _rem():
        c = wid // 2
        tr = wid % 2
        rs = pl.ds(tr * 8, 8)
        ls = pl.ds(_REM_OFF, _REM)
        tdst = tbuf.at[0, :, pl.ds(0, _REM)]
        pltpu.sync_copy(tt.at[c, rs, ls], tdst)

        @pl.when(c == 1)
        def _mul():
            pltpu.sync_copy(wt.at[rs, ls], wbuf.at[0, :, pl.ds(0, _REM)])
            _scale_rows(tbuf.at[0], wbuf.at[0], _REM)

        pltpu.sync_copy(tdst, out.at[c, rs, ls])


def _tc_tail_kernel(x_ref, w_ref, t_ref, o_ref):
    del x_ref
    pw = jnp.maximum(w_ref[...], 0.0) + 1e-9
    o_ref[0] = t_ref[0]
    o_ref[1] = t_ref[1] * pw


def kernel(t, weights):
    v, _, width = t.shape
    tt = jnp.transpose(t, (1, 2, 0))
    wt = jnp.transpose(weights, (1, 0))
    sck = pl.kernel(
        _sc_body,
        out_type=jax.ShapeDtypeStruct((2, width, v), jnp.float32),
        mesh=plsc.VectorSubcoreMesh(core_axis_name="c", subcore_axis_name="s"),
        scratch_types=[
            pltpu.VMEM((2, 8, _CH), jnp.float32),
            pltpu.VMEM((2, 8, _CH), jnp.float32),
            pltpu.SemaphoreType.DMA((2,)),
            pltpu.SemaphoreType.DMA((2,)),
            pltpu.SemaphoreType.DMA((2,)),
        ],
        compiler_params=pltpu.CompilerParams(use_tc_tiling_on_sc=True),
    )
    out = sck(tt, wt)

    tb = 128
    ti = _TAIL_OFF // tb
    out = pl.pallas_call(
        _tc_tail_kernel,
        grid=(1,),
        in_specs=[
            pl.BlockSpec((2, width, tb), lambda i: (0, 0, ti)),
            pl.BlockSpec((width, tb), lambda i: (0, ti)),
            pl.BlockSpec((2, width, tb), lambda i: (0, 0, ti)),
        ],
        out_specs=pl.BlockSpec((2, width, tb), lambda i: (0, 0, ti)),
        out_shape=jax.ShapeDtypeStruct((2, width, v), jnp.float32),
        input_output_aliases={0: 0},
    )(out, wt, tt)
    return jnp.transpose(out, (2, 0, 1))

# --- scband reference (transcript-rebuilt; emitter-appended) ---
"""Pipeline reference for scband-encoder-token-pi-81449759801567 (READ-ONLY COPY).

The authoritative reference and input builder live on the scoring server;
editing this copy changes nothing except your own understanding.
"""

import jax, jax.numpy as jnp
import numpy as np

VOCAB = 1000000
WIDTH = 16

def setup_inputs(seed: int = 0) -> dict:
    key = jax.random.key(seed)
    k1, k2 = jax.random.split(key)
    t = jax.random.uniform(k1, (VOCAB, 2, WIDTH), dtype=jnp.float32)
    # nn.Parameter initialized with normal_(mean=1, std=0.1)
    weights = 1.0 + 0.1 * jax.random.normal(k2, (VOCAB, WIDTH), dtype=jnp.float32)
    return {"t": t, "weights": weights}

def reference(t, weights):
    # prob_weights = relu(weights) + 1e-9
    prob_weights = jnp.maximum(weights, 0.0) + 1e-9
    # x starts as t; x[:, 1] = prob_weights * t[:, 1]
    x = t.at[:, 1].set(prob_weights * t[:, 1])
    # p_y1 = sum(x, dim=0)  (computed but not returned, as in the original)
    p_y1 = jnp.sum(x, axis=0)
    return x

if __name__ == "__main__":
    import jax
    _d = setup_inputs()
    print(jax.jit(kernel)(*tuple(_d.values())))

</pallas_src>

<mosaic_0001>
#map = affine_map<(d0, d1) -> (0, 0, 0)>
#map1 = affine_map<(d0, d1) -> (0, 0)>
module attributes {stable_mosaic.version = 14 : i64} {
  func.func @_sc_body(%arg0: i32, %arg1: i32, %arg2: memref<2x16x1000000xf32, #tpu.memory_space<hbm>>, %arg3: memref<16x1000000xf32, #tpu.memory_space<hbm>>, %arg4: memref<2x16x1000000xf32, #tpu.memory_space<hbm>>, %arg5: memref<2x8x2048xf32, #tpu.memory_space<vmem>>, %arg6: memref<2x8x2048xf32, #tpu.memory_space<vmem>>, %arg7: memref<2x!tpu.dma_semaphore, #tpu.memory_space<semaphore_mem>>, %arg8: memref<2x!tpu.dma_semaphore, #tpu.memory_space<semaphore_mem>>, %arg9: memref<2x!tpu.dma_semaphore, #tpu.memory_space<semaphore_mem>>) attributes {dimension_semantics = [#tpu.dimension_semantics<core_parallel>, #tpu.dimension_semantics<subcore_parallel>], iteration_bounds = array<i64: 2, 16>, scalar_prefetch = 0 : i64, scratch_operands = 5 : i64, tpu.core_type = #tpu.core_type<sc_vector_subcore>, window_params = [{transform_indices = #map}, {transform_indices = #map1}, {transform_indices = #map}]} {
    %mul3A = arith.constant 2 : i32
    %mul3A_0 = arith.muli %arg1, %mul3A : i32
    %add3A = arith.addi %mul3A_0, %arg0 : i32
    %add3A_1 = arith.constant 0 : i32
    %add3A_2 = arith.addi %add3A_1, %add3A : i32
    %jit3A = arith.constant 976 : i32
    %div3A = arith.divsi %add3A_2, %jit3A : i32
    %sign3A = arith.constant 0 : i32
    %sign3A_3 = arith.cmpi sgt, %add3A_2, %sign3A : i32
    %sign3A_4 = arith.extui %sign3A_3 : i1 to i32
    %sign3A_5 = arith.constant 0 : i32
    %sign3A_6 = arith.cmpi slt, %add3A_2, %sign3A_5 : i32
    %sign3A_7 = arith.extui %sign3A_6 : i1 to i32
    %sign3A_8 = arith.subi %sign3A_4, %sign3A_7 : i32
    %sign3A_9 = arith.constant 0 : i32
    %sign3A_10 = arith.cmpi sgt, %jit3A, %sign3A_9 : i32
    %sign3A_11 = arith.extui %sign3A_10 : i1 to i32
    %sign3A_12 = arith.constant 0 : i32
    %sign3A_13 = arith.cmpi slt, %jit3A, %sign3A_12 : i32
    %sign3A_14 = arith.extui %sign3A_13 : i1 to i32
    %sign3A_15 = arith.subi %sign3A_11, %sign3A_14 : i32
    %ne3A = arith.cmpi ne, %sign3A_8, %sign3A_15 : i32
    %rem3A = arith.remsi %add3A_2, %jit3A : i32
    %ne3A_16 = arith.constant 0 : i32
    %ne3A_17 = arith.cmpi ne, %rem3A, %ne3A_16 : i32
    %and3A = arith.andi %ne3A, %ne3A_17 : i1
    %sub3A = arith.constant 1 : i32
    %sub3A_18 = arith.subi %div3A, %sub3A : i32
    %select_n3A = arith.select %and3A, %sub3A_18, %div3A : i32
    %jit3A_19 = arith.constant 976 : i32
    %eq3A = arith.constant 0 : i32
    %eq3A_20 = arith.cmpi eq, %jit3A_19, %eq3A : i32
    %jit3A_21 = arith.constant 1 : i32
    %select_n3A_22 = arith.select %eq3A_20, %jit3A_21, %jit3A_19 : i32
    %rem3A_23 = arith.remsi %add3A_2, %select_n3A_22 : i32
    %ne3A_24 = arith.constant 0 : i32
    %ne3A_25 = arith.cmpi ne, %rem3A_23, %ne3A_24 : i32
    %lt3A = arith.constant 0 : i32
    %lt3A_26 = arith.cmpi slt, %rem3A_23, %lt3A : i32
    %lt3A_27 = arith.constant 0 : i32
    %lt3A_28 = arith.cmpi slt, %select_n3A_22, %lt3A_27 : i32
    %ne3A_29 = arith.xori %lt3A_26, %lt3A_28 : i1
    %and3A_30 = arith.andi %ne3A_29, %ne3A_25 : i1
    %add3A_31 = arith.addi %rem3A_23, %select_n3A_22 : i32
    %select_n3A_32 = arith.select %and3A_30, %add3A_31, %rem3A_23 : i32
    %jit3A_33 = arith.constant 488 : i32
    %div3A_34 = arith.divsi %select_n3A_32, %jit3A_33 : i32
    %sign3A_35 = arith.constant 0 : i32
    %sign3A_36 = arith.cmpi sgt, %select_n3A_32, %sign3A_35 : i32
    %sign3A_37 = arith.extui %sign3A_36 : i1 to i32
    %sign3A_38 = arith.constant 0 : i32
    %sign3A_39 = arith.cmpi slt, %select_n3A_32, %sign3A_38 : i32
    %sign3A_40 = arith.extui %sign3A_39 : i1 to i32
    %sign3A_41 = arith.subi %sign3A_37, %sign3A_40 : i32
    %sign3A_42 = arith.constant 0 : i32
    %sign3A_43 = arith.cmpi sgt, %jit3A_33, %sign3A_42 : i32
    %sign3A_44 = arith.extui %sign3A_43 : i1 to i32
    %sign3A_45 = arith.constant 0 : i32
    %sign3A_46 = arith.cmpi slt, %jit3A_33, %sign3A_45 : i32
    %sign3A_47 = arith.extui %sign3A_46 : i1 to i32
    %sign3A_48 = arith.subi %sign3A_44, %sign3A_47 : i32
    %ne3A_49 = arith.cmpi ne, %sign3A_41, %sign3A_48 : i32
    %rem3A_50 = arith.remsi %select_n3A_32, %jit3A_33 : i32
    %ne3A_51 = arith.constant 0 : i32
    %ne3A_52 = arith.cmpi ne, %rem3A_50, %ne3A_51 : i32
    %and3A_53 = arith.andi %ne3A_49, %ne3A_52 : i1
    %sub3A_54 = arith.constant 1 : i32
    %sub3A_55 = arith.subi %div3A_34, %sub3A_54 : i32
    %select_n3A_56 = arith.select %and3A_53, %sub3A_55, %div3A_34 : i32
    %jit3A_57 = arith.constant 488 : i32
    %eq3A_58 = arith.constant 0 : i32
    %eq3A_59 = arith.cmpi eq, %jit3A_57, %eq3A_58 : i32
    %jit3A_60 = arith.constant 1 : i32
    %select_n3A_61 = arith.select %eq3A_59, %jit3A_60, %jit3A_57 : i32
    %rem3A_62 = arith.remsi %select_n3A_32, %select_n3A_61 : i32
    %ne3A_63 = arith.constant 0 : i32
    %ne3A_64 = arith.cmpi ne, %rem3A_62, %ne3A_63 : i32
    %lt3A_65 = arith.constant 0 : i32
    %lt3A_66 = arith.cmpi slt, %rem3A_62, %lt3A_65 : i32
    %lt3A_67 = arith.constant 0 : i32
    %lt3A_68 = arith.cmpi slt, %select_n3A_61, %lt3A_67 : i32
    %ne3A_69 = arith.xori %lt3A_66, %lt3A_68 : i1
    %and3A_70 = arith.andi %ne3A_69, %ne3A_64 : i1
    %add3A_71 = arith.addi %rem3A_62, %select_n3A_61 : i32
    %select_n3A_72 = arith.select %and3A_70, %add3A_71, %rem3A_62 : i32
    %mul3A_73 = arith.constant 2048 : i32
    %mul3A_74 = arith.muli %select_n3A_72, %mul3A_73 : i32
    %mul3A_75 = arith.constant 8 : i32
    %mul3A_76 = arith.muli %select_n3A_56, %mul3A_75 : i32
    %dma_start3A = arith.constant 0 : i32
    %dma_start3A_77 = arith.constant 0 : i32
    %dma_start3A_78 = arith.constant 0 : i32
    %dma_start3A_79 = arith.constant 0 : i32
    %dma_start3A_80 = tpu.memref_slice %arg5[%dma_start3A, %dma_start3A_78, %dma_start3A_79] : memref<2x8x2048xf32, #tpu.memory_space<vmem>> -> memref<1x8x2048xf32, #tpu.memory_space<vmem>>
    %dma_start3A_81 = tpu.memref_squeeze %dma_start3A_80 : memref<1x8x2048xf32, #tpu.memory_space<vmem>> -> memref<8x2048xf32, #tpu.memory_space<vmem>>
    %dma_start3A_82 = tpu.memref_slice %arg2[%select_n3A, %mul3A_76, %mul3A_74] : memref<2x16x1000000xf32, #tpu.memory_space<hbm>> -> memref<1x8x2048xf32, #tpu.memory_space<hbm>>
    %dma_start3A_83 = tpu.memref_squeeze %dma_start3A_82 : memref<1x8x2048xf32, #tpu.memory_space<hbm>> -> memref<8x2048xf32, #tpu.memory_space<hbm>>
    %dma_start3A_84 = tpu.memref_slice %arg7[%dma_start3A_77] : memref<2x!tpu.dma_semaphore, #tpu.memory_space<semaphore_mem>> -> memref<1x!tpu.dma_semaphore, #tpu.memory_space<semaphore_mem>>
    %dma_start3A_85 = tpu.memref_squeeze %dma_start3A_84 : memref<1x!tpu.dma_semaphore, #tpu.memory_space<semaphore_mem>> -> memref<!tpu.dma_semaphore, #tpu.memory_space<semaphore_mem>>
    %dma_start3A_86 = arith.constant 0 : i32
    %dma_start3A_87 = arith.constant 0 : i32
    %dma_start3A_88 = tpu.memref_slice %arg5[%dma_start3A, %dma_start3A_86, %dma_start3A_87] : memref<2x8x2048xf32, #tpu.memory_space<vmem>> -> memref<1x8x2048xf32, #tpu.memory_space<vmem>>
    %dma_start3A_89 = tpu.memref_squeeze %dma_start3A_88 : memref<1x8x2048xf32, #tpu.memory_space<vmem>> -> memref<8x2048xf32, #tpu.memory_space<vmem>>
    %dma_start3A_90 = tpu.memref_slice %arg2[%select_n3A, %mul3A_76, %mul3A_74] : memref<2x16x1000000xf32, #tpu.memory_space<hbm>> -> memref<1x8x2048xf32, #tpu.memory_space<hbm>>
    %dma_start3A_91 = tpu.memref_squeeze %dma_start3A_90 : memref<1x8x2048xf32, #tpu.memory_space<hbm>> -> memref<8x2048xf32, #tpu.memory_space<hbm>>
    tpu.enqueue_dma source(%dma_start3A_91 : memref<8x2048xf32, #tpu.memory_space<hbm>>) target(%dma_start3A_89 : memref<8x2048xf32, #tpu.memory_space<vmem>>) target_semaphore(%dma_start3A_85 : memref<!tpu.dma_semaphore, #tpu.memory_space<semaphore_mem>>)
    %eq3A_92 = arith.constant 1 : i32
    %eq3A_93 = arith.cmpi eq, %select_n3A, %eq3A_92 : i32
    %convert_element_type3A = arith.extui %eq3A_93 : i1 to i32
    %cond3A = arith.constant 0 : i32
    %cond3A_94 = arith.cmpi ne, %convert_element_type3A, %cond3A : i32
    scf.if %cond3A_94 {
      %dma_start3A_309 = arith.constant 0 : i32
      %dma_start3A_310 = arith.constant 0 : i32
      %dma_start3A_311 = arith.constant 0 : i32
      %dma_start3A_312 = arith.constant 0 : i32
      %dma_start3A_313 = tpu.memref_slice %arg6[%dma_start3A_309, %dma_start3A_311, %dma_start3A_312] : memref<2x8x2048xf32, #tpu.memory_space<vmem>> -> memref<1x8x2048xf32, #tpu.memory_space<vmem>>
      %dma_start3A_314 = tpu.memref_squeeze %dma_start3A_313 : memref<1x8x2048xf32, #tpu.memory_space<vmem>> -> memref<8x2048xf32, #tpu.memory_space<vmem>>
      %dma_start3A_315 = tpu.memref_slice %arg3[%mul3A_76, %mul3A_74] : memref<16x1000000xf32, #tpu.memory_space<hbm>> -> memref<8x2048xf32, #tpu.memory_space<hbm>>
      %dma_start3A_316 = tpu.memref_slice %arg8[%dma_start3A_310] : memref<2x!tpu.dma_semaphore, #tpu.memory_space<semaphore_mem>> -> memref<1x!tpu.dma_semaphore, #tpu.memory_space<semaphore_mem>>
      %dma_start3A_317 = tpu.memref_squeeze %dma_start3A_316 : memref<1x!tpu.dma_semaphore, #tpu.memory_space<semaphore_mem>> -> memref<!tpu.dma_semaphore, #tpu.memory_space<semaphore_mem>>
      %dma_start3A_318 = arith.constant 0 : i32
      %dma_start3A_319 = arith.constant 0 : i32
      %dma_start3A_320 = tpu.memref_slice %arg6[%dma_start3A_309, %dma_start3A_318, %dma_start3A_319] : memref<2x8x2048xf32, #tpu.memory_space<vmem>> -> memref<1x8x2048xf32, #tpu.memory_space<vmem>>
      %dma_start3A_321 = tpu.memref_squeeze %dma_start3A_320 : memref<1x8x2048xf32, #tpu.memory_space<vmem>> -> memref<8x2048xf32, #tpu.memory_space<vmem>>
      %dma_start3A_322 = tpu.memref_slice %arg3[%mul3A_76, %mul3A_74] : memref<16x1000000xf32, #tpu.memory_space<hbm>> -> memref<8x2048xf32, #tpu.memory_space<hbm>>
      tpu.enqueue_dma source(%dma_start3A_322 : memref<8x2048xf32, #tpu.memory_space<hbm>>) target(%dma_start3A_321 : memref<8x2048xf32, #tpu.memory_space<vmem>>) target_semaphore(%dma_start3A_317 : memref<!tpu.dma_semaphore, #tpu.memory_space<semaphore_mem>>)
    } else {
    }
    %scan3A = arith.constant 0 : i32
    %scan3A_95 = arith.constant 0 : i32
    %scan3A_96 = arith.constant 61 : i32
    %scan3A_97 = arith.addi %scan3A_95, %scan3A_96 : i32
    %scan3A_98 = arith.constant 1 : i32
    %scan3A_99 = scf.for %scan3A_309 = %scan3A_95 to %scan3A_97 step %scan3A_98 iter_args(%scan3A_310 = %scan3A) -> (i32)  : i32 {
      %mul3A_311 = arith.constant 32 : i32
      %mul3A_312 = arith.muli %scan3A_309, %mul3A_311 : i32
      %add3A_313 = arith.addi %mul3A_312, %add3A : i32
      %jit3A_314 = arith.constant 976 : i32
      %div3A_315 = arith.divsi %add3A_313, %jit3A_314 : i32
      %sign3A_316 = arith.constant 0 : i32
      %sign3A_317 = arith.cmpi sgt, %add3A_313, %sign3A_316 : i32
      %sign3A_318 = arith.extui %sign3A_317 : i1 to i32
      %sign3A_319 = arith.constant 0 : i32
      %sign3A_320 = arith.cmpi slt, %add3A_313, %sign3A_319 : i32
      %sign3A_321 = arith.extui %sign3A_320 : i1 to i32
      %sign3A_322 = arith.subi %sign3A_318, %sign3A_321 : i32
      %sign3A_323 = arith.constant 0 : i32
      %sign3A_324 = arith.cmpi sgt, %jit3A_314, %sign3A_323 : i32
      %sign3A_325 = arith.extui %sign3A_324 : i1 to i32
      %sign3A_326 = arith.constant 0 : i32
      %sign3A_327 = arith.cmpi slt, %jit3A_314, %sign3A_326 : i32
      %sign3A_328 = arith.extui %sign3A_327 : i1 to i32
      %sign3A_329 = arith.subi %sign3A_325, %sign3A_328 : i32
      %ne3A_330 = arith.cmpi ne, %sign3A_322, %sign3A_329 : i32
      %rem3A_331 = arith.remsi %add3A_313, %jit3A_314 : i32
      %ne3A_332 = arith.constant 0 : i32
      %ne3A_333 = arith.cmpi ne, %rem3A_331, %ne3A_332 : i32
      %and3A_334 = arith.andi %ne3A_330, %ne3A_333 : i1
      %sub3A_335 = arith.constant 1 : i32
      %sub3A_336 = arith.subi %div3A_315, %sub3A_335 : i32
      %select_n3A_337 = arith.select %and3A_334, %sub3A_336, %div3A_315 : i32
      %jit3A_338 = arith.constant 976 : i32
      %eq3A_339 = arith.constant 0 : i32
      %eq3A_340 = arith.cmpi eq, %jit3A_338, %eq3A_339 : i32
      %jit3A_341 = arith.constant 1 : i32
      %select_n3A_342 = arith.select %eq3A_340, %jit3A_341, %jit3A_338 : i32
      %rem3A_343 = arith.remsi %add3A_313, %select_n3A_342 : i32
      %ne3A_344 = arith.constant 0 : i32
      %ne3A_345 = arith.cmpi ne, %rem3A_343, %ne3A_344 : i32
      %lt3A_346 = arith.constant 0 : i32
      %lt3A_347 = arith.cmpi slt, %rem3A_343, %lt3A_346 : i32
      %lt3A_348 = arith.constant 0 : i32
      %lt3A_349 = arith.cmpi slt, %select_n3A_342, %lt3A_348 : i32
      %ne3A_350 = arith.xori %lt3A_347, %lt3A_349 : i1
      %and3A_351 = arith.andi %ne3A_350, %ne3A_345 : i1
      %add3A_352 = arith.addi %rem3A_343, %select_n3A_342 : i32
      %select_n3A_353 = arith.select %and3A_351, %add3A_352, %rem3A_343 : i32
      %jit3A_354 = arith.constant 488 : i32
      %div3A_355 = arith.divsi %select_n3A_353, %jit3A_354 : i32
      %sign3A_356 = arith.constant 0 : i32
      %sign3A_357 = arith.cmpi sgt, %select_n3A_353, %sign3A_356 : i32
      %sign3A_358 = arith.extui %sign3A_357 : i1 to i32
      %sign3A_359 = arith.constant 0 : i32
      %sign3A_360 = arith.cmpi slt, %select_n3A_353, %sign3A_359 : i32
      %sign3A_361 = arith.extui %sign3A_360 : i1 to i32
      %sign3A_362 = arith.subi %sign3A_358, %sign3A_361 : i32
      %sign3A_363 = arith.constant 0 : i32
      %sign3A_364 = arith.cmpi sgt, %jit3A_354, %sign3A_363 : i32
      %sign3A_365 = arith.extui %sign3A_364 : i1 to i32
      %sign3A_366 = arith.constant 0 : i32
      %sign3A_367 = arith.cmpi slt, %jit3A_354, %sign3A_366 : i32
      %sign3A_368 = arith.extui %sign3A_367 : i1 to i32
      %sign3A_369 = arith.subi %sign3A_365, %sign3A_368 : i32
      %ne3A_370 = arith.cmpi ne, %sign3A_362, %sign3A_369 : i32
      %rem3A_371 = arith.remsi %select_n3A_353, %jit3A_354 : i32
      %ne3A_372 = arith.constant 0 : i32
      %ne3A_373 = arith.cmpi ne, %rem3A_371, %ne3A_372 : i32
      %and3A_374 = arith.andi %ne3A_370, %ne3A_373 : i1
      %sub3A_375 = arith.constant 1 : i32
      %sub3A_376 = arith.subi %div3A_355, %sub3A_375 : i32
      %select_n3A_377 = arith.select %and3A_374, %sub3A_376, %div3A_355 : i32
      %jit3A_378 = arith.constant 488 : i32
      %eq3A_379 = arith.constant 0 : i32
      %eq3A_380 = arith.cmpi eq, %jit3A_378, %eq3A_379 : i32
      %jit3A_381 = arith.constant 1 : i32
      %select_n3A_382 = arith.select %eq3A_380, %jit3A_381, %jit3A_378 : i32
      %rem3A_383 = arith.remsi %select_n3A_353, %select_n3A_382 : i32
      %ne3A_384 = arith.constant 0 : i32
      %ne3A_385 = arith.cmpi ne, %rem3A_383, %ne3A_384 : i32
      %lt3A_386 = arith.constant 0 : i32
      %lt3A_387 = arith.cmpi slt, %rem3A_383, %lt3A_386 : i32
      %lt3A_388 = arith.constant 0 : i32
      %lt3A_389 = arith.cmpi slt, %select_n3A_382, %lt3A_388 : i32
      %ne3A_390 = arith.xori %lt3A_387, %lt3A_389 : i1
      %and3A_391 = arith.andi %ne3A_390, %ne3A_385 : i1
      %add3A_392 = arith.addi %rem3A_383, %select_n3A_382 : i32
      %select_n3A_393 = arith.select %and3A_391, %add3A_392, %rem3A_383 : i32
      %mul3A_394 = arith.constant 2048 : i32
      %mul3A_395 = arith.muli %select_n3A_393, %mul3A_394 : i32
      %mul3A_396 = arith.constant 8 : i32
      %mul3A_397 = arith.muli %select_n3A_377, %mul3A_396 : i32
      %jit3A_398 = arith.constant 2 : i32
      %eq3A_399 = arith.constant 0 : i32
      %eq3A_400 = arith.cmpi eq, %jit3A_398, %eq3A_399 : i32
      %jit3A_401 = arith.constant 1 : i32
      %select_n3A_402 = arith.select %eq3A_400, %jit3A_401, %jit3A_398 : i32
      %rem3A_403 = arith.remsi %scan3A_309, %select_n3A_402 : i32
      %ne3A_404 = arith.constant 0 : i32
      %ne3A_405 = arith.cmpi ne, %rem3A_403, %ne3A_404 : i32
      %lt3A_406 = arith.constant 0 : i32
      %lt3A_407 = arith.cmpi slt, %rem3A_403, %lt3A_406 : i32
      %lt3A_408 = arith.constant 0 : i32
      %lt3A_409 = arith.cmpi slt, %select_n3A_402, %lt3A_408 : i32
      %ne3A_410 = arith.xori %lt3A_407, %lt3A_409 : i1
      %and3A_411 = arith.andi %ne3A_410, %ne3A_405 : i1
      %add3A_412 = arith.addi %rem3A_403, %select_n3A_402 : i32
      %select_n3A_413 = arith.select %and3A_411, %add3A_412, %rem3A_403 : i32
      %add3A_414 = arith.constant 1 : i32
      %add3A_415 = arith.addi %scan3A_309, %add3A_414 : i32
      %lt3A_416 = arith.constant 61 : i32
      %lt3A_417 = arith.cmpi slt, %add3A_415, %lt3A_416 : i32
      %convert_element_type3A_418 = arith.extui %lt3A_417 : i1 to i32
      %cond3A_419 = arith.constant 0 : i32
      %cond3A_420 = arith.cmpi ne, %convert_element_type3A_418, %cond3A_419 : i32
      scf.if %cond3A_420 {
        %ge3A = arith.constant 1 : i32
        %ge3A_455 = arith.cmpi sge, %scan3A_309, %ge3A : i32
        %convert_element_type3A_456 = arith.extui %ge3A_455 : i1 to i32
        %cond3A_457 = arith.constant 0 : i32
        %cond3A_458 = arith.cmpi ne, %convert_element_type3A_456, %cond3A_457 : i32
        scf.if %cond3A_458 {
          %sub3A_583 = arith.constant 1 : i32
          %sub3A_584 = arith.subi %scan3A_309, %sub3A_583 : i32
          %mul3A_585 = arith.constant 32 : i32
          %mul3A_586 = arith.muli %sub3A_584, %mul3A_585 : i32
          %add3A_587 = arith.addi %mul3A_586, %add3A : i32
          %jit3A_588 = arith.constant 976 : i32
          %div3A_589 = arith.divsi %add3A_587, %jit3A_588 : i32
          %sign3A_590 = arith.constant 0 : i32
          %sign3A_591 = arith.cmpi sgt, %add3A_587, %sign3A_590 : i32
          %sign3A_592 = arith.extui %sign3A_591 : i1 to i32
          %sign3A_593 = arith.constant 0 : i32
          %sign3A_594 = arith.cmpi slt, %add3A_587, %sign3A_593 : i32
          %sign3A_595 = arith.extui %sign3A_594 : i1 to i32
          %sign3A_596 = arith.subi %sign3A_592, %sign3A_595 : i32
          %sign3A_597 = arith.constant 0 : i32
          %sign3A_598 = arith.cmpi sgt, %jit3A_588, %sign3A_597 : i32
          %sign3A_599 = arith.extui %sign3A_598 : i1 to i32
          %sign3A_600 = arith.constant 0 : i32
          %sign3A_601 = arith.cmpi slt, %jit3A_588, %sign3A_600 : i32
          %sign3A_602 = arith.extui %sign3A_601 : i1 to i32
          %sign3A_603 = arith.subi %sign3A_599, %sign3A_602 : i32
          %ne3A_604 = arith.cmpi ne, %sign3A_596, %sign3A_603 : i32
          %rem3A_605 = arith.remsi %add3A_587, %jit3A_588 : i32
          %ne3A_606 = arith.constant 0 : i32
          %ne3A_607 = arith.cmpi ne, %rem3A_605, %ne3A_606 : i32
          %and3A_608 = arith.andi %ne3A_604, %ne3A_607 : i1
          %sub3A_609 = arith.constant 1 : i32
          %sub3A_610 = arith.subi %div3A_589, %sub3A_609 : i32
          %select_n3A_611 = arith.select %and3A_608, %sub3A_610, %div3A_589 : i32
          %jit3A_612 = arith.constant 976 : i32
          %eq3A_613 = arith.constant 0 : i32
          %eq3A_614 = arith.cmpi eq, %jit3A_612, %eq3A_613 : i32
          %jit3A_615 = arith.constant 1 : i32
          %select_n3A_616 = arith.select %eq3A_614, %jit3A_615, %jit3A_612 : i32
          %rem3A_617 = arith.remsi %add3A_587, %select_n3A_616 : i32
          %ne3A_618 = arith.constant 0 : i32
          %ne3A_619 = arith.cmpi ne, %rem3A_617, %ne3A_618 : i32
          %lt3A_620 = arith.constant 0 : i32
          %lt3A_621 = arith.cmpi slt, %rem3A_617, %lt3A_620 : i32
          %lt3A_622 = arith.constant 0 : i32
          %lt3A_623 = arith.cmpi slt, %select_n3A_616, %lt3A_622 : i32
          %ne3A_624 = arith.xori %lt3A_621, %lt3A_623 : i1
          %and3A_625 = arith.andi %ne3A_624, %ne3A_619 : i1
          %add3A_626 = arith.addi %rem3A_617, %select_n3A_616 : i32
          %select_n3A_627 = arith.select %and3A_625, %add3A_626, %rem3A_617 : i32
          %jit3A_628 = arith.constant 488 : i32
          %div3A_629 = arith.divsi %select_n3A_627, %jit3A_628 : i32
          %sign3A_630 = arith.constant 0 : i32
          %sign3A_631 = arith.cmpi sgt, %select_n3A_627, %sign3A_630 : i32
          %sign3A_632 = arith.extui %sign3A_631 : i1 to i32
          %sign3A_633 = arith.constant 0 : i32
          %sign3A_634 = arith.cmpi slt, %select_n3A_627, %sign3A_633 : i32
          %sign3A_635 = arith.extui %sign3A_634 : i1 to i32
          %sign3A_636 = arith.subi %sign3A_632, %sign3A_635 : i32
          %sign3A_637 = arith.constant 0 : i32
          %sign3A_638 = arith.cmpi sgt, %jit3A_628, %sign3A_637 : i32
          %sign3A_639 = arith.extui %sign3A_638 : i1 to i32
          %sign3A_640 = arith.constant 0 : i32
          %sign3A_641 = arith.cmpi slt, %jit3A_628, %sign3A_640 : i32
          %sign3A_642 = arith.extui %sign3A_641 : i1 to i32
          %sign3A_643 = arith.subi %sign3A_639, %sign3A_642 : i32
          %ne3A_644 = arith.cmpi ne, %sign3A_636, %sign3A_643 : i32
          %rem3A_645 = arith.remsi %select_n3A_627, %jit3A_628 : i32
          %ne3A_646 = arith.constant 0 : i32
          %ne3A_647 = arith.cmpi ne, %rem3A_645, %ne3A_646 : i32
          %and3A_648 = arith.andi %ne3A_644, %ne3A_647 : i1
          %sub3A_649 = arith.constant 1 : i32
          %sub3A_650 = arith.subi %div3A_629, %sub3A_649 : i32
          %select_n3A_651 = arith.select %and3A_648, %sub3A_650, %div3A_629 : i32
          %jit3A_652 = arith.constant 488 : i32
          %eq3A_653 = arith.constant 0 : i32
          %eq3A_654 = arith.cmpi eq, %jit3A_652, %eq3A_653 : i32
          %jit3A_655 = arith.constant 1 : i32
          %select_n3A_656 = arith.select %eq3A_654, %jit3A_655, %jit3A_652 : i32
          %rem3A_657 = arith.remsi %select_n3A_627, %select_n3A_656 : i32
          %ne3A_658 = arith.constant 0 : i32
          %ne3A_659 = arith.cmpi ne, %rem3A_657, %ne3A_658 : i32
          %lt3A_660 = arith.constant 0 : i32
          %lt3A_661 = arith.cmpi slt, %rem3A_657, %lt3A_660 : i32
          %lt3A_662 = arith.constant 0 : i32
          %lt3A_663 = arith.cmpi slt, %select_n3A_656, %lt3A_662 : i32
          %ne3A_664 = arith.xori %lt3A_661, %lt3A_663 : i1
          %and3A_665 = arith.andi %ne3A_664, %ne3A_659 : i1
          %add3A_666 = arith.addi %rem3A_657, %select_n3A_656 : i32
          %select_n3A_667 = arith.select %and3A_665, %add3A_666, %rem3A_657 : i32
          %mul3A_668 = arith.constant 2048 : i32
          %mul3A_669 = arith.muli %select_n3A_667, %mul3A_668 : i32
          %mul3A_670 = arith.constant 8 : i32
          %mul3A_671 = arith.muli %select_n3A_651, %mul3A_670 : i32
          %sub3A_672 = arith.constant 1 : i32
          %sub3A_673 = arith.subi %scan3A_309, %sub3A_672 : i32
          %jit3A_674 = arith.constant 2 : i32
          %eq3A_675 = arith.constant 0 : i32
          %eq3A_676 = arith.cmpi eq, %jit3A_674, %eq3A_675 : i32
          %jit3A_677 = arith.constant 1 : i32
          %select_n3A_678 = arith.select %eq3A_676, %jit3A_677, %jit3A_674 : i32
          %rem3A_679 = arith.remsi %sub3A_673, %select_n3A_678 : i32
          %ne3A_680 = arith.constant 0 : i32
          %ne3A_681 = arith.cmpi ne, %rem3A_679, %ne3A_680 : i32
          %lt3A_682 = arith.constant 0 : i32
          %lt3A_683 = arith.cmpi slt, %rem3A_679, %lt3A_682 : i32
          %lt3A_684 = arith.constant 0 : i32
          %lt3A_685 = arith.cmpi slt, %select_n3A_678, %lt3A_684 : i32
          %ne3A_686 = arith.xori %lt3A_683, %lt3A_685 : i1
          %and3A_687 = arith.andi %ne3A_686, %ne3A_681 : i1
          %add3A_688 = arith.addi %rem3A_679, %select_n3A_678 : i32
          %select_n3A_689 = arith.select %and3A_687, %add3A_688, %rem3A_679 : i32
          %dma_wait3A_690 = arith.constant 0 : i32
          %dma_wait3A_691 = arith.constant 0 : i32
          %dma_wait3A_692 = tpu.memref_slice %arg5[%select_n3A_689, %dma_wait3A_690, %dma_wait3A_691] : memref<2x8x2048xf32, #tpu.memory_space<vmem>> -> memref<1x8x2048xf32, #tpu.memory_space<vmem>>
          %dma_wait3A_693 = tpu.memref_squeeze %dma_wait3A_692 : memref<1x8x2048xf32, #tpu.memory_space<vmem>> -> memref<8x2048xf32, #tpu.memory_space<vmem>>
          %dma_wait3A_694 = tpu.memref_slice %arg4[%select_n3A_611, %mul3A_671, %mul3A_669] : memref<2x16x1000000xf32, #tpu.memory_space<hbm>> -> memref<1x8x2048xf32, #tpu.memory_space<hbm>>
          %dma_wait3A_695 = tpu.memref_squeeze %dma_wait3A_694 : memref<1x8x2048xf32, #tpu.memory_space<hbm>> -> memref<8x2048xf32, #tpu.memory_space<hbm>>
          %dma_wait3A_696 = tpu.memref_slice %arg9[%select_n3A_689] : memref<2x!tpu.dma_semaphore, #tpu.memory_space<semaphore_mem>> -> memref<1x!tpu.dma_semaphore, #tpu.memory_space<semaphore_mem>>
          %dma_wait3A_697 = tpu.memref_squeeze %dma_wait3A_696 : memref<1x!tpu.dma_semaphore, #tpu.memory_space<semaphore_mem>> -> memref<!tpu.dma_semaphore, #tpu.memory_space<semaphore_mem>>
          %dma_wait3A_698 = tpu.memref_slice %arg4[%select_n3A_611, %mul3A_671, %mul3A_669] : memref<2x16x1000000xf32, #tpu.memory_space<hbm>> -> memref<1x8x2048xf32, #tpu.memory_space<hbm>>
          %dma_wait3A_699 = tpu.memref_squeeze %dma_wait3A_698 : memref<1x8x2048xf32, #tpu.memory_space<hbm>> -> memref<8x2048xf32, #tpu.memory_space<hbm>>
          %dma_wait3A_700 = arith.constant 0 : i32
          %dma_wait3A_701 = arith.constant 0 : i32
          %dma_wait3A_702 = tpu.memref_slice %arg5[%select_n3A_689, %dma_wait3A_700, %dma_wait3A_701] : memref<2x8x2048xf32, #tpu.memory_space<vmem>> -> memref<1x8x2048xf32, #tpu.memory_space<vmem>>
          %dma_wait3A_703 = tpu.memref_squeeze %dma_wait3A_702 : memref<1x8x2048xf32, #tpu.memory_space<vmem>> -> memref<8x2048xf32, #tpu.memory_space<vmem>>
          tpu.wait_dma2 semaphore(%dma_wait3A_697 : memref<!tpu.dma_semaphore, #tpu.memory_space<semaphore_mem>>) src(%dma_wait3A_703 : memref<8x2048xf32, #tpu.memory_space<vmem>>) dst(%dma_wait3A_699 : memref<8x2048xf32, #tpu.memory_space<hbm>>)
        } else {
        }
        %add3A_459 = arith.constant 1 : i32
        %add3A_460 = arith.addi %scan3A_309, %add3A_459 : i32
        %mul3A_461 = arith.constant 32 : i32
        %mul3A_462 = arith.muli %add3A_460, %mul3A_461 : i32
        %add3A_463 = arith.addi %mul3A_462, %add3A : i32
        %jit3A_464 = arith.constant 976 : i32
        %div3A_465 = arith.divsi %add3A_463, %jit3A_464 : i32
        %sign3A_466 = arith.constant 0 : i32
        %sign3A_467 = arith.cmpi sgt, %add3A_463, %sign3A_466 : i32
        %sign3A_468 = arith.extui %sign3A_467 : i1 to i32
        %sign3A_469 = arith.constant 0 : i32
        %sign3A_470 = arith.cmpi slt, %add3A_463, %sign3A_469 : i32
        %sign3A_471 = arith.extui %sign3A_470 : i1 to i32
        %sign3A_472 = arith.subi %sign3A_468, %sign3A_471 : i32
        %sign3A_473 = arith.constant 0 : i32
        %sign3A_474 = arith.cmpi sgt, %jit3A_464, %sign3A_473 : i32
        %sign3A_475 = arith.extui %sign3A_474 : i1 to i32
        %sign3A_476 = arith.constant 0 : i32
        %sign3A_477 = arith.cmpi slt, %jit3A_464, %sign3A_476 : i32
        %sign3A_478 = arith.extui %sign3A_477 : i1 to i32
        %sign3A_479 = arith.subi %sign3A_475, %sign3A_478 : i32
        %ne3A_480 = arith.cmpi ne, %sign3A_472, %sign3A_479 : i32
        %rem3A_481 = arith.remsi %add3A_463, %jit3A_464 : i32
        %ne3A_482 = arith.constant 0 : i32
        %ne3A_483 = arith.cmpi ne, %rem3A_481, %ne3A_482 : i32
        %and3A_484 = arith.andi %ne3A_480, %ne3A_483 : i1
        %sub3A_485 = arith.constant 1 : i32
        %sub3A_486 = arith.subi %div3A_465, %sub3A_485 : i32
        %select_n3A_487 = arith.select %and3A_484, %sub3A_486, %div3A_465 : i32
        %jit3A_488 = arith.constant 976 : i32
        %eq3A_489 = arith.constant 0 : i32
        %eq3A_490 = arith.cmpi eq, %jit3A_488, %eq3A_489 : i32
        %jit3A_491 = arith.constant 1 : i32
        %select_n3A_492 = arith.select %eq3A_490, %jit3A_491, %jit3A_488 : i32
        %rem3A_493 = arith.remsi %add3A_463, %select_n3A_492 : i32
        %ne3A_494 = arith.constant 0 : i32
        %ne3A_495 = arith.cmpi ne, %rem3A_493, %ne3A_494 : i32
        %lt3A_496 = arith.constant 0 : i32
        %lt3A_497 = arith.cmpi slt, %rem3A_493, %lt3A_496 : i32
        %lt3A_498 = arith.constant 0 : i32
        %lt3A_499 = arith.cmpi slt, %select_n3A_492, %lt3A_498 : i32
        %ne3A_500 = arith.xori %lt3A_497, %lt3A_499 : i1
        %and3A_501 = arith.andi %ne3A_500, %ne3A_495 : i1
        %add3A_502 = arith.addi %rem3A_493, %select_n3A_492 : i32
        %select_n3A_503 = arith.select %and3A_501, %add3A_502, %rem3A_493 : i32
        %jit3A_504 = arith.constant 488 : i32
        %div3A_505 = arith.divsi %select_n3A_503, %jit3A_504 : i32
        %sign3A_506 = arith.constant 0 : i32
        %sign3A_507 = arith.cmpi sgt, %select_n3A_503, %sign3A_506 : i32
        %sign3A_508 = arith.extui %sign3A_507 : i1 to i32
        %sign3A_509 = arith.constant 0 : i32
        %sign3A_510 = arith.cmpi slt, %select_n3A_503, %sign3A_509 : i32
        %sign3A_511 = arith.extui %sign3A_510 : i1 to i32
        %sign3A_512 = arith.subi %sign3A_508, %sign3A_511 : i32
        %sign3A_513 = arith.constant 0 : i32
        %sign3A_514 = arith.cmpi sgt, %jit3A_504, %sign3A_513 : i32
        %sign3A_515 = arith.extui %sign3A_514 : i1 to i32
        %sign3A_516 = arith.constant 0 : i32
        %sign3A_517 = arith.cmpi slt, %jit3A_504, %sign3A_516 : i32
        %sign3A_518 = arith.extui %sign3A_517 : i1 to i32
        %sign3A_519 = arith.subi %sign3A_515, %sign3A_518 : i32
        %ne3A_520 = arith.cmpi ne, %sign3A_512, %sign3A_519 : i32
        %rem3A_521 = arith.remsi %select_n3A_503, %jit3A_504 : i32
        %ne3A_522 = arith.constant 0 : i32
        %ne3A_523 = arith.cmpi ne, %rem3A_521, %ne3A_522 : i32
        %and3A_524 = arith.andi %ne3A_520, %ne3A_523 : i1
        %sub3A_525 = arith.constant 1 : i32
        %sub3A_526 = arith.subi %div3A_505, %sub3A_525 : i32
        %select_n3A_527 = arith.select %and3A_524, %sub3A_526, %div3A_505 : i32
        %jit3A_528 = arith.constant 488 : i32
        %eq3A_529 = arith.constant 0 : i32
        %eq3A_530 = arith.cmpi eq, %jit3A_528, %eq3A_529 : i32
        %jit3A_531 = arith.constant 1 : i32
        %select_n3A_532 = arith.select %eq3A_530, %jit3A_531, %jit3A_528 : i32
        %rem3A_533 = arith.remsi %select_n3A_503, %select_n3A_532 : i32
        %ne3A_534 = arith.constant 0 : i32
        %ne3A_535 = arith.cmpi ne, %rem3A_533, %ne3A_534 : i32
        %lt3A_536 = arith.constant 0 : i32
        %lt3A_537 = arith.cmpi slt, %rem3A_533, %lt3A_536 : i32
        %lt3A_538 = arith.constant 0 : i32
        %lt3A_539 = arith.cmpi slt, %select_n3A_532, %lt3A_538 : i32
        %ne3A_540 = arith.xori %lt3A_537, %lt3A_539 : i1
        %and3A_541 = arith.andi %ne3A_540, %ne3A_535 : i1
        %add3A_542 = arith.addi %rem3A_533, %select_n3A_532 : i32
        %select_n3A_543 = arith.select %and3A_541, %add3A_542, %rem3A_533 : i32
        %mul3A_544 = arith.constant 2048 : i32
        %mul3A_545 = arith.muli %select_n3A_543, %mul3A_544 : i32
        %mul3A_546 = arith.constant 8 : i32
        %mul3A_547 = arith.muli %select_n3A_527, %mul3A_546 : i32
        %jit3A_548 = arith.constant 2 : i32
        %eq3A_549 = arith.constant 0 : i32
        %eq3A_550 = arith.cmpi eq, %jit3A_548, %eq3A_549 : i32
        %jit3A_551 = arith.constant 1 : i32
        %select_n3A_552 = arith.select %eq3A_550, %jit3A_551, %jit3A_548 : i32
        %rem3A_553 = arith.remsi %add3A_460, %select_n3A_552 : i32
        %ne3A_554 = arith.constant 0 : i32
        %ne3A_555 = arith.cmpi ne, %rem3A_553, %ne3A_554 : i32
        %lt3A_556 = arith.constant 0 : i32
        %lt3A_557 = arith.cmpi slt, %rem3A_553, %lt3A_556 : i32
        %lt3A_558 = arith.constant 0 : i32
        %lt3A_559 = arith.cmpi slt, %select_n3A_552, %lt3A_558 : i32
        %ne3A_560 = arith.xori %lt3A_557, %lt3A_559 : i1
        %and3A_561 = arith.andi %ne3A_560, %ne3A_555 : i1
        %add3A_562 = arith.addi %rem3A_553, %select_n3A_552 : i32
        %select_n3A_563 = arith.select %and3A_561, %add3A_562, %rem3A_553 : i32
        %dma_start3A_564 = arith.constant 0 : i32
        %dma_start3A_565 = arith.constant 0 : i32
        %dma_start3A_566 = tpu.memref_slice %arg5[%select_n3A_563, %dma_start3A_564, %dma_start3A_565] : memref<2x8x2048xf32, #tpu.memory_space<vmem>> -> memref<1x8x2048xf32, #tpu.memory_space<vmem>>
        %dma_start3A_567 = tpu.memref_squeeze %dma_start3A_566 : memref<1x8x2048xf32, #tpu.memory_space<vmem>> -> memref<8x2048xf32, #tpu.memory_space<vmem>>
        %dma_start3A_568 = tpu.memref_slice %arg2[%select_n3A_487, %mul3A_547, %mul3A_545] : memref<2x16x1000000xf32, #tpu.memory_space<hbm>> -> memref<1x8x2048xf32, #tpu.memory_space<hbm>>
        %dma_start3A_569 = tpu.memref_squeeze %dma_start3A_568 : memref<1x8x2048xf32, #tpu.memory_space<hbm>> -> memref<8x2048xf32, #tpu.memory_space<hbm>>
        %dma_start3A_570 = tpu.memref_slice %arg7[%select_n3A_563] : memref<2x!tpu.dma_semaphore, #tpu.memory_space<semaphore_mem>> -> memref<1x!tpu.dma_semaphore, #tpu.memory_space<semaphore_mem>>
        %dma_start3A_571 = tpu.memref_squeeze %dma_start3A_570 : memref<1x!tpu.dma_semaphore, #tpu.memory_space<semaphore_mem>> -> memref<!tpu.dma_semaphore, #tpu.memory_space<semaphore_mem>>
        %dma_start3A_572 = arith.constant 0 : i32
        %dma_start3A_573 = arith.constant 0 : i32
        %dma_start3A_574 = tpu.memref_slice %arg5[%select_n3A_563, %dma_start3A_572, %dma_start3A_573] : memref<2x8x2048xf32, #tpu.memory_space<vmem>> -> memref<1x8x2048xf32, #tpu.memory_space<vmem>>
        %dma_start3A_575 = tpu.memref_squeeze %dma_start3A_574 : memref<1x8x2048xf32, #tpu.memory_space<vmem>> -> memref<8x2048xf32, #tpu.memory_space<vmem>>
        %dma_start3A_576 = tpu.memref_slice %arg2[%select_n3A_487, %mul3A_547, %mul3A_545] : memref<2x16x1000000xf32, #tpu.memory_space<hbm>> -> memref<1x8x2048xf32, #tpu.memory_space<hbm>>
        %dma_start3A_577 = tpu.memref_squeeze %dma_start3A_576 : memref<1x8x2048xf32, #tpu.memory_space<hbm>> -> memref<8x2048xf32, #tpu.memory_space<hbm>>
        tpu.enqueue_dma source(%dma_start3A_577 : memref<8x2048xf32, #tpu.memory_space<hbm>>) target(%dma_start3A_575 : memref<8x2048xf32, #tpu.memory_space<vmem>>) target_semaphore(%dma_start3A_571 : memref<!tpu.dma_semaphore, #tpu.memory_space<semaphore_mem>>)
        %eq3A_578 = arith.constant 1 : i32
        %eq3A_579 = arith.cmpi eq, %select_n3A_487, %eq3A_578 : i32
        %convert_element_type3A_580 = arith.extui %eq3A_579 : i1 to i32
        %cond3A_581 = arith.constant 0 : i32
        %cond3A_582 = arith.cmpi ne, %convert_element_type3A_580, %cond3A_581 : i32
        scf.if %cond3A_582 {
          %dma_start3A_583 = arith.constant 0 : i32
          %dma_start3A_584 = arith.constant 0 : i32
          %dma_start3A_585 = tpu.memref_slice %arg6[%select_n3A_563, %dma_start3A_583, %dma_start3A_584] : memref<2x8x2048xf32, #tpu.memory_space<vmem>> -> memref<1x8x2048xf32, #tpu.memory_space<vmem>>
          %dma_start3A_586 = tpu.memref_squeeze %dma_start3A_585 : memref<1x8x2048xf32, #tpu.memory_space<vmem>> -> memref<8x2048xf32, #tpu.memory_space<vmem>>
          %dma_start3A_587 = tpu.memref_slice %arg3[%mul3A_547, %mul3A_545] : memref<16x1000000xf32, #tpu.memory_space<hbm>> -> memref<8x2048xf32, #tpu.memory_space<hbm>>
          %dma_start3A_588 = tpu.memref_slice %arg8[%select_n3A_563] : memref<2x!tpu.dma_semaphore, #tpu.memory_space<semaphore_mem>> -> memref<1x!tpu.dma_semaphore, #tpu.memory_space<semaphore_mem>>
          %dma_start3A_589 = tpu.memref_squeeze %dma_start3A_588 : memref<1x!tpu.dma_semaphore, #tpu.memory_space<semaphore_mem>> -> memref<!tpu.dma_semaphore, #tpu.memory_space<semaphore_mem>>
          %dma_start3A_590 = arith.constant 0 : i32
          %dma_start3A_591 = arith.constant 0 : i32
          %dma_start3A_592 = tpu.memref_slice %arg6[%select_n3A_563, %dma_start3A_590, %dma_start3A_591] : memref<2x8x2048xf32, #tpu.memory_space<vmem>> -> memref<1x8x2048xf32, #tpu.memory_space<vmem>>
          %dma_start3A_593 = tpu.memref_squeeze %dma_start3A_592 : memref<1x8x2048xf32, #tpu.memory_space<vmem>> -> memref<8x2048xf32, #tpu.memory_space<vmem>>
          %dma_start3A_594 = tpu.memref_slice %arg3[%mul3A_547, %mul3A_545] : memref<16x1000000xf32, #tpu.memory_space<hbm>> -> memref<8x2048xf32, #tpu.memory_space<hbm>>
          tpu.enqueue_dma source(%dma_start3A_594 : memref<8x2048xf32, #tpu.memory_space<hbm>>) target(%dma_start3A_593 : memref<8x2048xf32, #tpu.memory_space<vmem>>) target_semaphore(%dma_start3A_589 : memref<!tpu.dma_semaphore, #tpu.memory_space<semaphore_mem>>)
        } else {
        }
      } else {
      }
      %dma_wait3A_421 = arith.constant 0 : i32
      %dma_wait3A_422 = arith.constant 0 : i32
      %dma_wait3A_423 = tpu.memref_slice %arg5[%select_n3A_413, %dma_wait3A_421, %dma_wait3A_422] : memref<2x8x2048xf32, #tpu.memory_space<vmem>> -> memref<1x8x2048xf32, #tpu.memory_space<vmem>>
      %dma_wait3A_424 = tpu.memref_squeeze %dma_wait3A_423 : memref<1x8x2048xf32, #tpu.memory_space<vmem>> -> memref<8x2048xf32, #tpu.memory_space<vmem>>
      %dma_wait3A_425 = tpu.memref_slice %arg2[%select_n3A_337, %mul3A_397, %mul3A_395] : memref<2x16x1000000xf32, #tpu.memory_space<hbm>> -> memref<1x8x2048xf32, #tpu.memory_space<hbm>>
      %dma_wait3A_426 = tpu.memref_squeeze %dma_wait3A_425 : memref<1x8x2048xf32, #tpu.memory_space<hbm>> -> memref<8x2048xf32, #tpu.memory_space<hbm>>
      %dma_wait3A_427 = tpu.memref_slice %arg7[%select_n3A_413] : memref<2x!tpu.dma_semaphore, #tpu.memory_space<semaphore_mem>> -> memref<1x!tpu.dma_semaphore, #tpu.memory_space<semaphore_mem>>
      %dma_wait3A_428 = tpu.memref_squeeze %dma_wait3A_427 : memref<1x!tpu.dma_semaphore, #tpu.memory_space<semaphore_mem>> -> memref<!tpu.dma_semaphore, #tpu.memory_space<semaphore_mem>>
      %dma_wait3A_429 = arith.constant 0 : i32
      %dma_wait3A_430 = arith.constant 0 : i32
      %dma_wait3A_431 = tpu.memref_slice %arg5[%select_n3A_413, %dma_wait3A_429, %dma_wait3A_430] : memref<2x8x2048xf32, #tpu.memory_space<vmem>> -> memref<1x8x2048xf32, #tpu.memory_space<vmem>>
      %dma_wait3A_432 = tpu.memref_squeeze %dma_wait3A_431 : memref<1x8x2048xf32, #tpu.memory_space<vmem>> -> memref<8x2048xf32, #tpu.memory_space<vmem>>
      %dma_wait3A_433 = tpu.memref_slice %arg2[%select_n3A_337, %mul3A_397, %mul3A_395] : memref<2x16x1000000xf32, #tpu.memory_space<hbm>> -> memref<1x8x2048xf32, #tpu.memory_space<hbm>>
      %dma_wait3A_434 = tpu.memref_squeeze %dma_wait3A_433 : memref<1x8x2048xf32, #tpu.memory_space<hbm>> -> memref<8x2048xf32, #tpu.memory_space<hbm>>
      tpu.wait_dma2 semaphore(%dma_wait3A_428 : memref<!tpu.dma_semaphore, #tpu.memory_space<semaphore_mem>>) src(%dma_wait3A_434 : memref<8x2048xf32, #tpu.memory_space<hbm>>) dst(%dma_wait3A_432 : memref<8x2048xf32, #tpu.memory_space<vmem>>)
      %eq3A_435 = arith.constant 1 : i32
      %eq3A_436 = arith.cmpi eq, %select_n3A_337, %eq3A_435 : i32
      %convert_element_type3A_437 = arith.extui %eq3A_436 : i1 to i32
      %cond3A_438 = arith.constant 0 : i32
      %cond3A_439 = arith.cmpi ne, %convert_element_type3A_437, %cond3A_438 : i32
      scf.if %cond3A_439 {
        %dma_wait3A_455 = arith.constant 0 : i32
        %dma_wait3A_456 = arith.constant 0 : i32
        %dma_wait3A_457 = tpu.memref_slice %arg6[%select_n3A_413, %dma_wait3A_455, %dma_wait3A_456] : memref<2x8x2048xf32, #tpu.memory_space<vmem>> -> memref<1x8x2048xf32, #tpu.memory_space<vmem>>
        %dma_wait3A_458 = tpu.memref_squeeze %dma_wait3A_457 : memref<1x8x2048xf32, #tpu.memory_space<vmem>> -> memref<8x2048xf32, #tpu.memory_space<vmem>>
        %dma_wait3A_459 = tpu.memref_slice %arg3[%mul3A_397, %mul3A_395] : memref<16x1000000xf32, #tpu.memory_space<hbm>> -> memref<8x2048xf32, #tpu.memory_space<hbm>>
        %dma_wait3A_460 = tpu.memref_slice %arg8[%select_n3A_413] : memref<2x!tpu.dma_semaphore, #tpu.memory_space<semaphore_mem>> -> memref<1x!tpu.dma_semaphore, #tpu.memory_space<semaphore_mem>>
        %dma_wait3A_461 = tpu.memref_squeeze %dma_wait3A_460 : memref<1x!tpu.dma_semaphore, #tpu.memory_space<semaphore_mem>> -> memref<!tpu.dma_semaphore, #tpu.memory_space<semaphore_mem>>
        %dma_wait3A_462 = arith.constant 0 : i32
        %dma_wait3A_463 = arith.constant 0 : i32
        %dma_wait3A_464 = tpu.memref_slice %arg6[%select_n3A_413, %dma_wait3A_462, %dma_wait3A_463] : memref<2x8x2048xf32, #tpu.memory_space<vmem>> -> memref<1x8x2048xf32, #tpu.memory_space<vmem>>
        %dma_wait3A_465 = tpu.memref_squeeze %dma_wait3A_464 : memref<1x8x2048xf32, #tpu.memory_space<vmem>> -> memref<8x2048xf32, #tpu.memory_space<vmem>>
        %dma_wait3A_466 = tpu.memref_slice %arg3[%mul3A_397, %mul3A_395] : memref<16x1000000xf32, #tpu.memory_space<hbm>> -> memref<8x2048xf32, #tpu.memory_space<hbm>>
        tpu.wait_dma2 semaphore(%dma_wait3A_461 : memref<!tpu.dma_semaphore, #tpu.memory_space<semaphore_mem>>) src(%dma_wait3A_466 : memref<8x2048xf32, #tpu.memory_space<hbm>>) dst(%dma_wait3A_465 : memref<8x2048xf32, #tpu.memory_space<vmem>>)
      } else {
      }
      %dma_start3A_440 = arith.constant 0 : i32
      %dma_start3A_441 = arith.constant 0 : i32
      %dma_start3A_442 = tpu.memref_slice %arg5[%select_n3A_413, %dma_start3A_440, %dma_start3A_441] : memref<2x8x2048xf32, #tpu.memory_space<vmem>> -> memref<1x8x2048xf32, #tpu.memory_space<vmem>>
      %dma_start3A_443 = tpu.memref_squeeze %dma_start3A_442 : memref<1x8x2048xf32, #tpu.memory_space<vmem>> -> memref<8x2048xf32, #tpu.memory_space<vmem>>
      %dma_start3A_444 = tpu.memref_slice %arg4[%select_n3A_337, %mul3A_397, %mul3A_395] : memref<2x16x1000000xf32, #tpu.memory_space<hbm>> -> memref<1x8x2048xf32, #tpu.memory_space<hbm>>
      %dma_start3A_445 = tpu.memref_squeeze %dma_start3A_444 : memref<1x8x2048xf32, #tpu.memory_space<hbm>> -> memref<8x2048xf32, #tpu.memory_space<hbm>>
      %dma_start3A_446 = tpu.memref_slice %arg9[%select_n3A_413] : memref<2x!tpu.dma_semaphore, #tpu.memory_space<semaphore_mem>> -> memref<1x!tpu.dma_semaphore, #tpu.memory_space<semaphore_mem>>
      %dma_start3A_447 = tpu.memref_squeeze %dma_start3A_446 : memref<1x!tpu.dma_semaphore, #tpu.memory_space<semaphore_mem>> -> memref<!tpu.dma_semaphore, #tpu.memory_space<semaphore_mem>>
      %dma_start3A_448 = tpu.memref_slice %arg4[%select_n3A_337, %mul3A_397, %mul3A_395] : memref<2x16x1000000xf32, #tpu.memory_space<hbm>> -> memref<1x8x2048xf32, #tpu.memory_space<hbm>>
      %dma_start3A_449 = tpu.memref_squeeze %dma_start3A_448 : memref<1x8x2048xf32, #tpu.memory_space<hbm>> -> memref<8x2048xf32, #tpu.memory_space<hbm>>
      %dma_start3A_450 = arith.constant 0 : i32
      %dma_start3A_451 = arith.constant 0 : i32
      %dma_start3A_452 = tpu.memref_slice %arg5[%select_n3A_413, %dma_start3A_450, %dma_start3A_451] : memref<2x8x2048xf32, #tpu.memory_space<vmem>> -> memref<1x8x2048xf32, #tpu.memory_space<vmem>>
      %dma_start3A_453 = tpu.memref_squeeze %dma_start3A_452 : memref<1x8x2048xf32, #tpu.memory_space<vmem>> -> memref<8x2048xf32, #tpu.memory_space<vmem>>
      tpu.enqueue_dma source(%dma_start3A_453 : memref<8x2048xf32, #tpu.memory_space<vmem>>) target(%dma_start3A_449 : memref<8x2048xf32, #tpu.memory_space<hbm>>) target_semaphore(%dma_start3A_447 : memref<!tpu.dma_semaphore, #tpu.memory_space<semaphore_mem>>)
      %scan3A_454 = arith.constant 0 : i32
      scf.yield %scan3A_454 : i32
    }
    %scan3A_100 = arith.constant 61 : i32
    %add3A_101 = arith.constant 1888 : i32
    %add3A_102 = arith.addi %add3A_101, %add3A : i32
    %jit3A_103 = arith.constant 976 : i32
    %div3A_104 = arith.divsi %add3A_102, %jit3A_103 : i32
    %sign3A_105 = arith.constant 0 : i32
    %sign3A_106 = arith.cmpi sgt, %add3A_102, %sign3A_105 : i32
    %sign3A_107 = arith.extui %sign3A_106 : i1 to i32
    %sign3A_108 = arith.constant 0 : i32
    %sign3A_109 = arith.cmpi slt, %add3A_102, %sign3A_108 : i32
    %sign3A_110 = arith.extui %sign3A_109 : i1 to i32
    %sign3A_111 = arith.subi %sign3A_107, %sign3A_110 : i32
    %sign3A_112 = arith.constant 0 : i32
    %sign3A_113 = arith.cmpi sgt, %jit3A_103, %sign3A_112 : i32
    %sign3A_114 = arith.extui %sign3A_113 : i1 to i32
    %sign3A_115 = arith.constant 0 : i32
    %sign3A_116 = arith.cmpi slt, %jit3A_103, %sign3A_115 : i32
    %sign3A_117 = arith.extui %sign3A_116 : i1 to i32
    %sign3A_118 = arith.subi %sign3A_114, %sign3A_117 : i32
    %ne3A_119 = arith.cmpi ne, %sign3A_111, %sign3A_118 : i32
    %rem3A_120 = arith.remsi %add3A_102, %jit3A_103 : i32
    %ne3A_121 = arith.constant 0 : i32
    %ne3A_122 = arith.cmpi ne, %rem3A_120, %ne3A_121 : i32
    %and3A_123 = arith.andi %ne3A_119, %ne3A_122 : i1
    %sub3A_124 = arith.constant 1 : i32
    %sub3A_125 = arith.subi %div3A_104, %sub3A_124 : i32
    %select_n3A_126 = arith.select %and3A_123, %sub3A_125, %div3A_104 : i32
    %jit3A_127 = arith.constant 976 : i32
    %eq3A_128 = arith.constant 0 : i32
    %eq3A_129 = arith.cmpi eq, %jit3A_127, %eq3A_128 : i32
    %jit3A_130 = arith.constant 1 : i32
    %select_n3A_131 = arith.select %eq3A_129, %jit3A_130, %jit3A_127 : i32
    %rem3A_132 = arith.remsi %add3A_102, %select_n3A_131 : i32
    %ne3A_133 = arith.constant 0 : i32
    %ne3A_134 = arith.cmpi ne, %rem3A_132, %ne3A_133 : i32
    %lt3A_135 = arith.constant 0 : i32
    %lt3A_136 = arith.cmpi slt, %rem3A_132, %lt3A_135 : i32
    %lt3A_137 = arith.constant 0 : i32
    %lt3A_138 = arith.cmpi slt, %select_n3A_131, %lt3A_137 : i32
    %ne3A_139 = arith.xori %lt3A_136, %lt3A_138 : i1
    %and3A_140 = arith.andi %ne3A_139, %ne3A_134 : i1
    %add3A_141 = arith.addi %rem3A_132, %select_n3A_131 : i32
    %select_n3A_142 = arith.select %and3A_140, %add3A_141, %rem3A_132 : i32
    %jit3A_143 = arith.constant 488 : i32
    %div3A_144 = arith.divsi %select_n3A_142, %jit3A_143 : i32
    %sign3A_145 = arith.constant 0 : i32
    %sign3A_146 = arith.cmpi sgt, %select_n3A_142, %sign3A_145 : i32
    %sign3A_147 = arith.extui %sign3A_146 : i1 to i32
    %sign3A_148 = arith.constant 0 : i32
    %sign3A_149 = arith.cmpi slt, %select_n3A_142, %sign3A_148 : i32
    %sign3A_150 = arith.extui %sign3A_149 : i1 to i32
    %sign3A_151 = arith.subi %sign3A_147, %sign3A_150 : i32
    %sign3A_152 = arith.constant 0 : i32
    %sign3A_153 = arith.cmpi sgt, %jit3A_143, %sign3A_152 : i32
    %sign3A_154 = arith.extui %sign3A_153 : i1 to i32
    %sign3A_155 = arith.constant 0 : i32
    %sign3A_156 = arith.cmpi slt, %jit3A_143, %sign3A_155 : i32
    %sign3A_157 = arith.extui %sign3A_156 : i1 to i32
    %sign3A_158 = arith.subi %sign3A_154, %sign3A_157 : i32
    %ne3A_159 = arith.cmpi ne, %sign3A_151, %sign3A_158 : i32
    %rem3A_160 = arith.remsi %select_n3A_142, %jit3A_143 : i32
    %ne3A_161 = arith.constant 0 : i32
    %ne3A_162 = arith.cmpi ne, %rem3A_160, %ne3A_161 : i32
    %and3A_163 = arith.andi %ne3A_159, %ne3A_162 : i1
    %sub3A_164 = arith.constant 1 : i32
    %sub3A_165 = arith.subi %div3A_144, %sub3A_164 : i32
    %select_n3A_166 = arith.select %and3A_163, %sub3A_165, %div3A_144 : i32
    %jit3A_167 = arith.constant 488 : i32
    %eq3A_168 = arith.constant 0 : i32
    %eq3A_169 = arith.cmpi eq, %jit3A_167, %eq3A_168 : i32
    %jit3A_170 = arith.constant 1 : i32
    %select_n3A_171 = arith.select %eq3A_169, %jit3A_170, %jit3A_167 : i32
    %rem3A_172 = arith.remsi %select_n3A_142, %select_n3A_171 : i32
    %ne3A_173 = arith.constant 0 : i32
    %ne3A_174 = arith.cmpi ne, %rem3A_172, %ne3A_173 : i32
    %lt3A_175 = arith.constant 0 : i32
    %lt3A_176 = arith.cmpi slt, %rem3A_172, %lt3A_175 : i32
    %lt3A_177 = arith.constant 0 : i32
    %lt3A_178 = arith.cmpi slt, %select_n3A_171, %lt3A_177 : i32
    %ne3A_179 = arith.xori %lt3A_176, %lt3A_178 : i1
    %and3A_180 = arith.andi %ne3A_179, %ne3A_174 : i1
    %add3A_181 = arith.addi %rem3A_172, %select_n3A_171 : i32
    %select_n3A_182 = arith.select %and3A_180, %add3A_181, %rem3A_172 : i32
    %mul3A_183 = arith.constant 2048 : i32
    %mul3A_184 = arith.muli %select_n3A_182, %mul3A_183 : i32
    %mul3A_185 = arith.constant 8 : i32
    %mul3A_186 = arith.muli %select_n3A_166, %mul3A_185 : i32
    %dma_wait3A = arith.constant 1 : i32
    %dma_wait3A_187 = arith.constant 1 : i32
    %dma_wait3A_188 = arith.constant 0 : i32
    %dma_wait3A_189 = arith.constant 0 : i32
    %dma_wait3A_190 = tpu.memref_slice %arg5[%dma_wait3A, %dma_wait3A_188, %dma_wait3A_189] : memref<2x8x2048xf32, #tpu.memory_space<vmem>> -> memref<1x8x2048xf32, #tpu.memory_space<vmem>>
    %dma_wait3A_191 = tpu.memref_squeeze %dma_wait3A_190 : memref<1x8x2048xf32, #tpu.memory_space<vmem>> -> memref<8x2048xf32, #tpu.memory_space<vmem>>
    %dma_wait3A_192 = tpu.memref_slice %arg4[%select_n3A_126, %mul3A_186, %mul3A_184] : memref<2x16x1000000xf32, #tpu.memory_space<hbm>> -> memref<1x8x2048xf32, #tpu.memory_space<hbm>>
    %dma_wait3A_193 = tpu.memref_squeeze %dma_wait3A_192 : memref<1x8x2048xf32, #tpu.memory_space<hbm>> -> memref<8x2048xf32, #tpu.memory_space<hbm>>
    %dma_wait3A_194 = tpu.memref_slice %arg9[%dma_wait3A_187] : memref<2x!tpu.dma_semaphore, #tpu.memory_space<semaphore_mem>> -> memref<1x!tpu.dma_semaphore, #tpu.memory_space<semaphore_mem>>
    %dma_wait3A_195 = tpu.memref_squeeze %dma_wait3A_194 : memref<1x!tpu.dma_semaphore, #tpu.memory_space<semaphore_mem>> -> memref<!tpu.dma_semaphore, #tpu.memory_space<semaphore_mem>>
    %dma_wait3A_196 = tpu.memref_slice %arg4[%select_n3A_126, %mul3A_186, %mul3A_184] : memref<2x16x1000000xf32, #tpu.memory_space<hbm>> -> memref<1x8x2048xf32, #tpu.memory_space<hbm>>
    %dma_wait3A_197 = tpu.memref_squeeze %dma_wait3A_196 : memref<1x8x2048xf32, #tpu.memory_space<hbm>> -> memref<8x2048xf32, #tpu.memory_space<hbm>>
    %dma_wait3A_198 = arith.constant 0 : i32
    %dma_wait3A_199 = arith.constant 0 : i32
    %dma_wait3A_200 = tpu.memref_slice %arg5[%dma_wait3A, %dma_wait3A_198, %dma_wait3A_199] : memref<2x8x2048xf32, #tpu.memory_space<vmem>> -> memref<1x8x2048xf32, #tpu.memory_space<vmem>>
    %dma_wait3A_201 = tpu.memref_squeeze %dma_wait3A_200 : memref<1x8x2048xf32, #tpu.memory_space<vmem>> -> memref<8x2048xf32, #tpu.memory_space<vmem>>
    tpu.wait_dma2 semaphore(%dma_wait3A_195 : memref<!tpu.dma_semaphore, #tpu.memory_space<semaphore_mem>>) src(%dma_wait3A_201 : memref<8x2048xf32, #tpu.memory_space<vmem>>) dst(%dma_wait3A_197 : memref<8x2048xf32, #tpu.memory_space<hbm>>)
    %add3A_202 = arith.constant 1920 : i32
    %add3A_203 = arith.addi %add3A_202, %add3A : i32
    %jit3A_204 = arith.constant 976 : i32
    %div3A_205 = arith.divsi %add3A_203, %jit3A_204 : i32
    %sign3A_206 = arith.constant 0 : i32
    %sign3A_207 = arith.cmpi sgt, %add3A_203, %sign3A_206 : i32
    %sign3A_208 = arith.extui %sign3A_207 : i1 to i32
    %sign3A_209 = arith.constant 0 : i32
    %sign3A_210 = arith.cmpi slt, %add3A_203, %sign3A_209 : i32
    %sign3A_211 = arith.extui %sign3A_210 : i1 to i32
    %sign3A_212 = arith.subi %sign3A_208, %sign3A_211 : i32
    %sign3A_213 = arith.constant 0 : i32
    %sign3A_214 = arith.cmpi sgt, %jit3A_204, %sign3A_213 : i32
    %sign3A_215 = arith.extui %sign3A_214 : i1 to i32
    %sign3A_216 = arith.constant 0 : i32
    %sign3A_217 = arith.cmpi slt, %jit3A_204, %sign3A_216 : i32
    %sign3A_218 = arith.extui %sign3A_217 : i1 to i32
    %sign3A_219 = arith.subi %sign3A_215, %sign3A_218 : i32
    %ne3A_220 = arith.cmpi ne, %sign3A_212, %sign3A_219 : i32
    %rem3A_221 = arith.remsi %add3A_203, %jit3A_204 : i32
    %ne3A_222 = arith.constant 0 : i32
    %ne3A_223 = arith.cmpi ne, %rem3A_221, %ne3A_222 : i32
    %and3A_224 = arith.andi %ne3A_220, %ne3A_223 : i1
    %sub3A_225 = arith.constant 1 : i32
    %sub3A_226 = arith.subi %div3A_205, %sub3A_225 : i32
    %select_n3A_227 = arith.select %and3A_224, %sub3A_226, %div3A_205 : i32
    %jit3A_228 = arith.constant 976 : i32
    %eq3A_229 = arith.constant 0 : i32
    %eq3A_230 = arith.cmpi eq, %jit3A_228, %eq3A_229 : i32
    %jit3A_231 = arith.constant 1 : i32
    %select_n3A_232 = arith.select %eq3A_230, %jit3A_231, %jit3A_228 : i32
    %rem3A_233 = arith.remsi %add3A_203, %select_n3A_232 : i32
    %ne3A_234 = arith.constant 0 : i32
    %ne3A_235 = arith.cmpi ne, %rem3A_233, %ne3A_234 : i32
    %lt3A_236 = arith.constant 0 : i32
    %lt3A_237 = arith.cmpi slt, %rem3A_233, %lt3A_236 : i32
    %lt3A_238 = arith.constant 0 : i32
    %lt3A_239 = arith.cmpi slt, %select_n3A_232, %lt3A_238 : i32
    %ne3A_240 = arith.xori %lt3A_237, %lt3A_239 : i1
    %and3A_241 = arith.andi %ne3A_240, %ne3A_235 : i1
    %add3A_242 = arith.addi %rem3A_233, %select_n3A_232 : i32
    %select_n3A_243 = arith.select %and3A_241, %add3A_242, %rem3A_233 : i32
    %jit3A_244 = arith.constant 488 : i32
    %div3A_245 = arith.divsi %select_n3A_243, %jit3A_244 : i32
    %sign3A_246 = arith.constant 0 : i32
    %sign3A_247 = arith.cmpi sgt, %select_n3A_243, %sign3A_246 : i32
    %sign3A_248 = arith.extui %sign3A_247 : i1 to i32
    %sign3A_249 = arith.constant 0 : i32
    %sign3A_250 = arith.cmpi slt, %select_n3A_243, %sign3A_249 : i32
    %sign3A_251 = arith.extui %sign3A_250 : i1 to i32
    %sign3A_252 = arith.subi %sign3A_248, %sign3A_251 : i32
    %sign3A_253 = arith.constant 0 : i32
    %sign3A_254 = arith.cmpi sgt, %jit3A_244, %sign3A_253 : i32
    %sign3A_255 = arith.extui %sign3A_254 : i1 to i32
    %sign3A_256 = arith.constant 0 : i32
    %sign3A_257 = arith.cmpi slt, %jit3A_244, %sign3A_256 : i32
    %sign3A_258 = arith.extui %sign3A_257 : i1 to i32
    %sign3A_259 = arith.subi %sign3A_255, %sign3A_258 : i32
    %ne3A_260 = arith.cmpi ne, %sign3A_252, %sign3A_259 : i32
    %rem3A_261 = arith.remsi %select_n3A_243, %jit3A_244 : i32
    %ne3A_262 = arith.constant 0 : i32
    %ne3A_263 = arith.cmpi ne, %rem3A_261, %ne3A_262 : i32
    %and3A_264 = arith.andi %ne3A_260, %ne3A_263 : i1
    %sub3A_265 = arith.constant 1 : i32
    %sub3A_266 = arith.subi %div3A_245, %sub3A_265 : i32
    %select_n3A_267 = arith.select %and3A_264, %sub3A_266, %div3A_245 : i32
    %jit3A_268 = arith.constant 488 : i32
    %eq3A_269 = arith.constant 0 : i32
    %eq3A_270 = arith.cmpi eq, %jit3A_268, %eq3A_269 : i32
    %jit3A_271 = arith.constant 1 : i32
    %select_n3A_272 = arith.select %eq3A_270, %jit3A_271, %jit3A_268 : i32
    %rem3A_273 = arith.remsi %select_n3A_243, %select_n3A_272 : i32
    %ne3A_274 = arith.constant 0 : i32
    %ne3A_275 = arith.cmpi ne, %rem3A_273, %ne3A_274 : i32
    %lt3A_276 = arith.constant 0 : i32
    %lt3A_277 = arith.cmpi slt, %rem3A_273, %lt3A_276 : i32
    %lt3A_278 = arith.constant 0 : i32
    %lt3A_279 = arith.cmpi slt, %select_n3A_272, %lt3A_278 : i32
    %ne3A_280 = arith.xori %lt3A_277, %lt3A_279 : i1
    %and3A_281 = arith.andi %ne3A_280, %ne3A_275 : i1
    %add3A_282 = arith.addi %rem3A_273, %select_n3A_272 : i32
    %select_n3A_283 = arith.select %and3A_281, %add3A_282, %rem3A_273 : i32
    %mul3A_284 = arith.constant 2048 : i32
    %mul3A_285 = arith.muli %select_n3A_283, %mul3A_284 : i32
    %mul3A_286 = arith.constant 8 : i32
    %mul3A_287 = arith.muli %select_n3A_267, %mul3A_286 : i32
    %dma_wait3A_288 = arith.constant 0 : i32
    %dma_wait3A_289 = arith.constant 0 : i32
    %dma_wait3A_290 = arith.constant 0 : i32
    %dma_wait3A_291 = arith.constant 0 : i32
    %dma_wait3A_292 = tpu.memref_slice %arg5[%dma_wait3A_288, %dma_wait3A_290, %dma_wait3A_291] : memref<2x8x2048xf32, #tpu.memory_space<vmem>> -> memref<1x8x2048xf32, #tpu.memory_space<vmem>>
    %dma_wait3A_293 = tpu.memref_squeeze %dma_wait3A_292 : memref<1x8x2048xf32, #tpu.memory_space<vmem>> -> memref<8x2048xf32, #tpu.memory_space<vmem>>
    %dma_wait3A_294 = tpu.memref_slice %arg4[%select_n3A_227, %mul3A_287, %mul3A_285] : memref<2x16x1000000xf32, #tpu.memory_space<hbm>> -> memref<1x8x2048xf32, #tpu.memory_space<hbm>>
    %dma_wait3A_295 = tpu.memref_squeeze %dma_wait3A_294 : memref<1x8x2048xf32, #tpu.memory_space<hbm>> -> memref<8x2048xf32, #tpu.memory_space<hbm>>
    %dma_wait3A_296 = tpu.memref_slice %arg9[%dma_wait3A_289] : memref<2x!tpu.dma_semaphore, #tpu.memory_space<semaphore_mem>> -> memref<1x!tpu.dma_semaphore, #tpu.memory_space<semaphore_mem>>
    %dma_wait3A_297 = tpu.memref_squeeze %dma_wait3A_296 : memref<1x!tpu.dma_semaphore, #tpu.memory_space<semaphore_mem>> -> memref<!tpu.dma_semaphore, #tpu.memory_space<semaphore_mem>>
    %dma_wait3A_298 = tpu.memref_slice %arg4[%select_n3A_227, %mul3A_287, %mul3A_285] : memref<2x16x1000000xf32, #tpu.memory_space<hbm>> -> memref<1x8x2048xf32, #tpu.memory_space<hbm>>
    %dma_wait3A_299 = tpu.memref_squeeze %dma_wait3A_298 : memref<1x8x2048xf32, #tpu.memory_space<hbm>> -> memref<8x2048xf32, #tpu.memory_space<hbm>>
    %dma_wait3A_300 = arith.constant 0 : i32
    %dma_wait3A_301 = arith.constant 0 : i32
    %dma_wait3A_302 = tpu.memref_slice %arg5[%dma_wait3A_288, %dma_wait3A_300, %dma_wait3A_301] : memref<2x8x2048xf32, #tpu.memory_space<vmem>> -> memref<1x8x2048xf32, #tpu.memory_space<vmem>>
    %dma_wait3A_303 = tpu.memref_squeeze %dma_wait3A_302 : memref<1x8x2048xf32, #tpu.memory_space<vmem>> -> memref<8x2048xf32, #tpu.memory_space<vmem>>
    tpu.wait_dma2 semaphore(%dma_wait3A_297 : memref<!tpu.dma_semaphore, #tpu.memory_space<semaphore_mem>>) src(%dma_wait3A_303 : memref<8x2048xf32, #tpu.memory_space<vmem>>) dst(%dma_wait3A_299 : memref<8x2048xf32, #tpu.memory_space<hbm>>)
    %lt3A_304 = arith.constant 4 : i32
    %lt3A_305 = arith.cmpi slt, %add3A, %lt3A_304 : i32
    %convert_element_type3A_306 = arith.extui %lt3A_305 : i1 to i32
    %cond3A_307 = arith.constant 0 : i32
    %cond3A_308 = arith.cmpi ne, %convert_element_type3A_306, %cond3A_307 : i32
    scf.if %cond3A_308 {
      %jit3A_309 = arith.constant 2 : i32
      %div3A_310 = arith.divsi %add3A, %jit3A_309 : i32
      %sign3A_311 = arith.constant 0 : i32
      %sign3A_312 = arith.cmpi sgt, %add3A, %sign3A_311 : i32
      %sign3A_313 = arith.extui %sign3A_312 : i1 to i32
      %sign3A_314 = arith.constant 0 : i32
      %sign3A_315 = arith.cmpi slt, %add3A, %sign3A_314 : i32
      %sign3A_316 = arith.extui %sign3A_315 : i1 to i32
      %sign3A_317 = arith.subi %sign3A_313, %sign3A_316 : i32
      %sign3A_318 = arith.constant 0 : i32
      %sign3A_319 = arith.cmpi sgt, %jit3A_309, %sign3A_318 : i32
      %sign3A_320 = arith.extui %sign3A_319 : i1 to i32
      %sign3A_321 = arith.constant 0 : i32
      %sign3A_322 = arith.cmpi slt, %jit3A_309, %sign3A_321 : i32
      %sign3A_323 = arith.extui %sign3A_322 : i1 to i32
      %sign3A_324 = arith.subi %sign3A_320, %sign3A_323 : i32
      %ne3A_325 = arith.cmpi ne, %sign3A_317, %sign3A_324 : i32
      %rem3A_326 = arith.remsi %add3A, %jit3A_309 : i32
      %ne3A_327 = arith.constant 0 : i32
      %ne3A_328 = arith.cmpi ne, %rem3A_326, %ne3A_327 : i32
      %and3A_329 = arith.andi %ne3A_325, %ne3A_328 : i1
      %sub3A_330 = arith.constant 1 : i32
      %sub3A_331 = arith.subi %div3A_310, %sub3A_330 : i32
      %select_n3A_332 = arith.select %and3A_329, %sub3A_331, %div3A_310 : i32
      %jit3A_333 = arith.constant 2 : i32
      %eq3A_334 = arith.constant 0 : i32
      %eq3A_335 = arith.cmpi eq, %jit3A_333, %eq3A_334 : i32
      %jit3A_336 = arith.constant 1 : i32
      %select_n3A_337 = arith.select %eq3A_335, %jit3A_336, %jit3A_333 : i32
      %rem3A_338 = arith.remsi %add3A, %select_n3A_337 : i32
      %ne3A_339 = arith.constant 0 : i32
      %ne3A_340 = arith.cmpi ne, %rem3A_338, %ne3A_339 : i32
      %lt3A_341 = arith.constant 0 : i32
      %lt3A_342 = arith.cmpi slt, %rem3A_338, %lt3A_341 : i32
      %lt3A_343 = arith.constant 0 : i32
      %lt3A_344 = arith.cmpi slt, %select_n3A_337, %lt3A_343 : i32
      %ne3A_345 = arith.xori %lt3A_342, %lt3A_344 : i1
      %and3A_346 = arith.andi %ne3A_345, %ne3A_340 : i1
      %add3A_347 = arith.addi %rem3A_338, %select_n3A_337 : i32
      %select_n3A_348 = arith.select %and3A_346, %add3A_347, %rem3A_338 : i32
      %mul3A_349 = arith.constant 8 : i32
      %mul3A_350 = arith.muli %select_n3A_348, %mul3A_349 : i32
      %run_scoped3A = arith.constant 0 : i32
      "tpu.region"() ({
        %run_scoped3A_357 = tpu.sem_alloc : memref<!tpu.dma_semaphore, #tpu.memory_space<semaphore_mem>>
        %dma_start3A_358 = arith.constant 0 : i32
        %dma_start3A_359 = arith.constant 0 : i32
        %dma_start3A_360 = tpu.memref_slice %arg5[%run_scoped3A, %dma_start3A_358, %dma_start3A_359] : memref<2x8x2048xf32, #tpu.memory_space<vmem>> -> memref<1x8x512xf32, #tpu.memory_space<vmem>>
        %dma_start3A_361 = tpu.memref_squeeze %dma_start3A_360 : memref<1x8x512xf32, #tpu.memory_space<vmem>> -> memref<8x512xf32, #tpu.memory_space<vmem>>
        %dma_start3A_362 = arith.constant 999424 : i32
        %dma_start3A_363 = tpu.memref_slice %arg2[%select_n3A_332, %mul3A_350, %dma_start3A_362] : memref<2x16x1000000xf32, #tpu.memory_space<hbm>> -> memref<1x8x512xf32, #tpu.memory_space<hbm>>
        %dma_start3A_364 = tpu.memref_squeeze %dma_start3A_363 : memref<1x8x512xf32, #tpu.memory_space<hbm>> -> memref<8x512xf32, #tpu.memory_space<hbm>>
        %dma_start3A_365 = arith.constant 0 : i32
        %dma_start3A_366 = arith.constant 0 : i32
        %dma_start3A_367 = tpu.memref_slice %arg5[%run_scoped3A, %dma_start3A_365, %dma_start3A_366] : memref<2x8x2048xf32, #tpu.memory_space<vmem>> -> memref<1x8x512xf32, #tpu.memory_space<vmem>>
        %dma_start3A_368 = tpu.memref_squeeze %dma_start3A_367 : memref<1x8x512xf32, #tpu.memory_space<vmem>> -> memref<8x512xf32, #tpu.memory_space<vmem>>
        %dma_start3A_369 = arith.constant 999424 : i32
        %dma_start3A_370 = tpu.memref_slice %arg2[%select_n3A_332, %mul3A_350, %dma_start3A_369] : memref<2x16x1000000xf32, #tpu.memory_space<hbm>> -> memref<1x8x512xf32, #tpu.memory_space<hbm>>
        %dma_start3A_371 = tpu.memref_squeeze %dma_start3A_370 : memref<1x8x512xf32, #tpu.memory_space<hbm>> -> memref<8x512xf32, #tpu.memory_space<hbm>>
        tpu.enqueue_dma source(%dma_start3A_371 : memref<8x512xf32, #tpu.memory_space<hbm>>) target(%dma_start3A_368 : memref<8x512xf32, #tpu.memory_space<vmem>>) target_semaphore(%run_scoped3A_357 : memref<!tpu.dma_semaphore, #tpu.memory_space<semaphore_mem>>)
        %dma_wait3A_372 = arith.constant 0 : i32
        %dma_wait3A_373 = arith.constant 0 : i32
        %dma_wait3A_374 = tpu.memref_slice %arg5[%run_scoped3A, %dma_wait3A_372, %dma_wait3A_373] : memref<2x8x2048xf32, #tpu.memory_space<vmem>> -> memref<1x8x512xf32, #tpu.memory_space<vmem>>
        %dma_wait3A_375 = tpu.memref_squeeze %dma_wait3A_374 : memref<1x8x512xf32, #tpu.memory_space<vmem>> -> memref<8x512xf32, #tpu.memory_space<vmem>>
        %dma_wait3A_376 = arith.constant 999424 : i32
        %dma_wait3A_377 = tpu.memref_slice %arg2[%select_n3A_332, %mul3A_350, %dma_wait3A_376] : memref<2x16x1000000xf32, #tpu.memory_space<hbm>> -> memref<1x8x512xf32, #tpu.memory_space<hbm>>
        %dma_wait3A_378 = tpu.memref_squeeze %dma_wait3A_377 : memref<1x8x512xf32, #tpu.memory_space<hbm>> -> memref<8x512xf32, #tpu.memory_space<hbm>>
        %dma_wait3A_379 = arith.constant 0 : i32
        %dma_wait3A_380 = arith.constant 0 : i32
        %dma_wait3A_381 = tpu.memref_slice %arg5[%run_scoped3A, %dma_wait3A_379, %dma_wait3A_380] : memref<2x8x2048xf32, #tpu.memory_space<vmem>> -> memref<1x8x512xf32, #tpu.memory_space<vmem>>
        %dma_wait3A_382 = tpu.memref_squeeze %dma_wait3A_381 : memref<1x8x512xf32, #tpu.memory_space<vmem>> -> memref<8x512xf32, #tpu.memory_space<vmem>>
        %dma_wait3A_383 = arith.constant 999424 : i32
        %dma_wait3A_384 = tpu.memref_slice %arg2[%select_n3A_332, %mul3A_350, %dma_wait3A_383] : memref<2x16x1000000xf32, #tpu.memory_space<hbm>> -> memref<1x8x512xf32, #tpu.memory_space<hbm>>
        %dma_wait3A_385 = tpu.memref_squeeze %dma_wait3A_384 : memref<1x8x512xf32, #tpu.memory_space<hbm>> -> memref<8x512xf32, #tpu.memory_space<hbm>>
        tpu.wait_dma2 semaphore(%run_scoped3A_357 : memref<!tpu.dma_semaphore, #tpu.memory_space<semaphore_mem>>) src(%dma_wait3A_385 : memref<8x512xf32, #tpu.memory_space<hbm>>) dst(%dma_wait3A_382 : memref<8x512xf32, #tpu.memory_space<vmem>>)
        tpu.yield
      }) : () -> ()
      %eq3A_351 = arith.constant 1 : i32
      %eq3A_352 = arith.cmpi eq, %select_n3A_332, %eq3A_351 : i32
      %convert_element_type3A_353 = arith.extui %eq3A_352 : i1 to i32
      %cond3A_354 = arith.constant 0 : i32
      %cond3A_355 = arith.cmpi ne, %convert_element_type3A_353, %cond3A_354 : i32
      scf.if %cond3A_355 {
        %run_scoped3A_357 = arith.constant 0 : i32
        "tpu.region"() ({
          %run_scoped3A_367 = tpu.sem_alloc : memref<!tpu.dma_semaphore, #tpu.memory_space<semaphore_mem>>
          %dma_start3A_368 = arith.constant 0 : i32
          %dma_start3A_369 = arith.constant 0 : i32
          %dma_start3A_370 = tpu.memref_slice %arg6[%run_scoped3A_357, %dma_start3A_368, %dma_start3A_369] : memref<2x8x2048xf32, #tpu.memory_space<vmem>> -> memref<1x8x512xf32, #tpu.memory_space<vmem>>
          %dma_start3A_371 = tpu.memref_squeeze %dma_start3A_370 : memref<1x8x512xf32, #tpu.memory_space<vmem>> -> memref<8x512xf32, #tpu.memory_space<vmem>>
          %dma_start3A_372 = arith.constant 999424 : i32
          %dma_start3A_373 = tpu.memref_slice %arg3[%mul3A_350, %dma_start3A_372] : memref<16x1000000xf32, #tpu.memory_space<hbm>> -> memref<8x512xf32, #tpu.memory_space<hbm>>
          %dma_start3A_374 = arith.constant 0 : i32
          %dma_start3A_375 = arith.constant 0 : i32
          %dma_start3A_376 = tpu.memref_slice %arg6[%run_scoped3A_357, %dma_start3A_374, %dma_start3A_375] : memref<2x8x2048xf32, #tpu.memory_space<vmem>> -> memref<1x8x512xf32, #tpu.memory_space<vmem>>
          %dma_start3A_377 = tpu.memref_squeeze %dma_start3A_376 : memref<1x8x512xf32, #tpu.memory_space<vmem>> -> memref<8x512xf32, #tpu.memory_space<vmem>>
          %dma_start3A_378 = arith.constant 999424 : i32
          %dma_start3A_379 = tpu.memref_slice %arg3[%mul3A_350, %dma_start3A_378] : memref<16x1000000xf32, #tpu.memory_space<hbm>> -> memref<8x512xf32, #tpu.memory_space<hbm>>
          tpu.enqueue_dma source(%dma_start3A_379 : memref<8x512xf32, #tpu.memory_space<hbm>>) target(%dma_start3A_377 : memref<8x512xf32, #tpu.memory_space<vmem>>) target_semaphore(%run_scoped3A_367 : memref<!tpu.dma_semaphore, #tpu.memory_space<semaphore_mem>>)
          %dma_wait3A_380 = arith.constant 0 : i32
          %dma_wait3A_381 = arith.constant 0 : i32
          %dma_wait3A_382 = tpu.memref_slice %arg6[%run_scoped3A_357, %dma_wait3A_380, %dma_wait3A_381] : memref<2x8x2048xf32, #tpu.memory_space<vmem>> -> memref<1x8x512xf32, #tpu.memory_space<vmem>>
          %dma_wait3A_383 = tpu.memref_squeeze %dma_wait3A_382 : memref<1x8x512xf32, #tpu.memory_space<vmem>> -> memref<8x512xf32, #tpu.memory_space<vmem>>
          %dma_wait3A_384 = arith.constant 999424 : i32
          %dma_wait3A_385 = tpu.memref_slice %arg3[%mul3A_350, %dma_wait3A_384] : memref<16x1000000xf32, #tpu.memory_space<hbm>> -> memref<8x512xf32, #tpu.memory_space<hbm>>
          %dma_wait3A_386 = arith.constant 0 : i32
          %dma_wait3A_387 = arith.constant 0 : i32
          %dma_wait3A_388 = tpu.memref_slice %arg6[%run_scoped3A_357, %dma_wait3A_386, %dma_wait3A_387] : memref<2x8x2048xf32, #tpu.memory_space<vmem>> -> memref<1x8x512xf32, #tpu.memory_space<vmem>>
          %dma_wait3A_389 = tpu.memref_squeeze %dma_wait3A_388 : memref<1x8x512xf32, #tpu.memory_space<vmem>> -> memref<8x512xf32, #tpu.memory_space<vmem>>
          %dma_wait3A_390 = arith.constant 999424 : i32
          %dma_wait3A_391 = tpu.memref_slice %arg3[%mul3A_350, %dma_wait3A_390] : memref<16x1000000xf32, #tpu.memory_space<hbm>> -> memref<8x512xf32, #tpu.memory_space<hbm>>
          tpu.wait_dma2 semaphore(%run_scoped3A_367 : memref<!tpu.dma_semaphore, #tpu.memory_space<semaphore_mem>>) src(%dma_wait3A_391 : memref<8x512xf32, #tpu.memory_space<hbm>>) dst(%dma_wait3A_389 : memref<8x512xf32, #tpu.memory_space<vmem>>)
          tpu.yield
        }) : () -> ()
        %scan3A_358 = arith.constant 0 : i32
        %scan3A_359 = arith.constant 0 : i32
        %scan3A_360 = arith.constant 0 : i32
        %scan3A_361 = arith.constant 0 : i32
        %scan3A_362 = arith.constant 32 : i32
        %scan3A_363 = arith.addi %scan3A_361, %scan3A_362 : i32
        %scan3A_364 = arith.constant 1 : i32
        %scan3A_365 = scf.for %scan3A_367 = %scan3A_361 to %scan3A_363 step %scan3A_364 iter_args(%scan3A_368 = %scan3A_360) -> (i32)  : i32 {
          %mul3A_369 = arith.constant 16 : i32
          %mul3A_370 = arith.muli %scan3A_367, %mul3A_369 : i32
          %get3A = arith.constant 0 : i32
          %get3A_371 = arith.constant 0 : i32
          %get3A_372 = arith.constant 0 : i32
          %get3A_373 = tpu.memref_slice %arg6[%scan3A_358, %get3A_371, %get3A_372] : memref<2x8x2048xf32, #tpu.memory_space<vmem>> -> memref<1x8x2048xf32, #tpu.memory_space<vmem>>
          %get3A_374 = tpu.memref_squeeze %get3A_373 : memref<1x8x2048xf32, #tpu.memory_space<vmem>> -> memref<8x2048xf32, #tpu.memory_space<vmem>>
          %get3A_375 = arith.index_cast %get3A : i32 to index
          %get3A_376 = arith.index_cast %mul3A_370 : i32 to index
          %get3A_377 = tpu.vector_load %get3A_374[%get3A_375, %get3A_376] {strides = array<i32>} : memref<8x2048xf32, #tpu.memory_space<vmem>>, vector<1x16xf32>,
          %get3A_378 = vector.shape_cast %get3A_377 : vector<1x16xf32> to vector<16xf32>
          %max3A = arith.constant 0.000000e+00 : f32
          %max3A_379 = vector.broadcast %max3A : f32 to vector<16xf32>
          %max3A_380 = arith.maximumf %get3A_378, %max3A_379 : vector<16xf32>
          %add3A_381 = arith.constant 9.99999971E-10 : f32
          %add3A_382 = vector.broadcast %add3A_381 : f32 to vector<16xf32>
          %add3A_383 = arith.addf %max3A_380, %add3A_382 : vector<16xf32>
          %get3A_384 = arith.constant 0 : i32
          %get3A_385 = arith.constant 0 : i32
          %get3A_386 = arith.constant 0 : i32
          %get3A_387 = tpu.memref_slice %arg5[%scan3A_359, %get3A_385, %get3A_386] : memref<2x8x2048xf32, #tpu.memory_space<vmem>> -> memref<1x8x2048xf32, #tpu.memory_space<vmem>>
          %get3A_388 = tpu.memref_squeeze %get3A_387 : memref<1x8x2048xf32, #tpu.memory_space<vmem>> -> memref<8x2048xf32, #tpu.memory_space<vmem>>
          %get3A_389 = arith.index_cast %get3A_384 : i32 to index
          %get3A_390 = arith.index_cast %mul3A_370 : i32 to index
          %get3A_391 = tpu.vector_load %get3A_388[%get3A_389, %get3A_390] {strides = array<i32>} : memref<8x2048xf32, #tpu.memory_space<vmem>>, vector<1x16xf32>,
          %get3A_392 = vector.shape_cast %get3A_391 : vector<1x16xf32> to vector<16xf32>
          %mul3A_393 = arith.mulf %get3A_392, %add3A_383 : vector<16xf32>
          %swap3A = arith.constant 0 : i32
          %swap3A_394 = arith.constant 0 : i32
          %swap3A_395 = arith.constant 0 : i32
          %swap3A_396 = tpu.memref_slice %arg5[%scan3A_359, %swap3A_394, %swap3A_395] : memref<2x8x2048xf32, #tpu.memory_space<vmem>> -> memref<1x8x2048xf32, #tpu.memory_space<vmem>>
          %swap3A_397 = tpu.memref_squeeze %swap3A_396 : memref<1x8x2048xf32, #tpu.memory_space<vmem>> -> memref<8x2048xf32, #tpu.memory_space<vmem>>
          %swap3A_398 = arith.index_cast %swap3A : i32 to index
          %swap3A_399 = arith.index_cast %mul3A_370 : i32 to index
          %swap3A_400 = tpu.vector_load %swap3A_397[%swap3A_398, %swap3A_399] {strides = array<i32>} : memref<8x2048xf32, #tpu.memory_space<vmem>>, vector<1x16xf32>,
          %swap3A_401 = vector.shape_cast %swap3A_400 : vector<1x16xf32> to vector<16xf32>
          %swap3A_402 = vector.shape_cast %mul3A_393 : vector<16xf32> to vector<1x16xf32>
          tpu.vector_store %swap3A_397[%swap3A_398, %swap3A_399], %swap3A_402 {strides = array<i32>} : memref<8x2048xf32, #tpu.memory_space<vmem>>, vector<1x16xf32>,
          %mul3A_403 = arith.constant 16 : i32
          %mul3A_404 = arith.muli %scan3A_367, %mul3A_403 : i32
          %get3A_405 = arith.constant 1 : i32
          %get3A_406 = arith.constant 0 : i32
          %get3A_407 = arith.constant 0 : i32
          %get3A_408 = tpu.memref_slice %arg6[%scan3A_358, %get3A_406, %get3A_407] : memref<2x8x2048xf32, #tpu.memory_space<vmem>> -> memref<1x8x2048xf32, #tpu.memory_space<vmem>>
          %get3A_409 = tpu.memref_squeeze %get3A_408 : memref<1x8x2048xf32, #tpu.memory_space<vmem>> -> memref<8x2048xf32, #tpu.memory_space<vmem>>
          %get3A_410 = arith.index_cast %get3A_405 : i32 to index
          %get3A_411 = arith.index_cast %mul3A_404 : i32 to index
          %get3A_412 = tpu.vector_load %get3A_409[%get3A_410, %get3A_411] {strides = array<i32>} : memref<8x2048xf32, #tpu.memory_space<vmem>>, vector<1x16xf32>,
          %get3A_413 = vector.shape_cast %get3A_412 : vector<1x16xf32> to vector<16xf32>
          %max3A_414 = arith.constant 0.000000e+00 : f32
          %max3A_415 = vector.broadcast %max3A_414 : f32 to vector<16xf32>
          %max3A_416 = arith.maximumf %get3A_413, %max3A_415 : vector<16xf32>
          %add3A_417 = arith.constant 9.99999971E-10 : f32
          %add3A_418 = vector.broadcast %add3A_417 : f32 to vector<16xf32>
          %add3A_419 = arith.addf %max3A_416, %add3A_418 : vector<16xf32>
          %get3A_420 = arith.constant 1 : i32
          %get3A_421 = arith.constant 0 : i32
          %get3A_422 = arith.constant 0 : i32
          %get3A_423 = tpu.memref_slice %arg5[%scan3A_359, %get3A_421, %get3A_422] : memref<2x8x2048xf32, #tpu.memory_space<vmem>> -> memref<1x8x2048xf32, #tpu.memory_space<vmem>>
          %get3A_424 = tpu.memref_squeeze %get3A_423 : memref<1x8x2048xf32, #tpu.memory_space<vmem>> -> memref<8x2048xf32, #tpu.memory_space<vmem>>
          %get3A_425 = arith.index_cast %get3A_420 : i32 to index
          %get3A_426 = arith.index_cast %mul3A_404 : i32 to index
          %get3A_427 = tpu.vector_load %get3A_424[%get3A_425, %get3A_426] {strides = array<i32>} : memref<8x2048xf32, #tpu.memory_space<vmem>>, vector<1x16xf32>,
          %get3A_428 = vector.shape_cast %get3A_427 : vector<1x16xf32> to vector<16xf32>
          %mul3A_429 = arith.mulf %get3A_428, %add3A_419 : vector<16xf32>
          %swap3A_430 = arith.constant 1 : i32
          %swap3A_431 = arith.constant 0 : i32
          %swap3A_432 = arith.constant 0 : i32
          %swap3A_433 = tpu.memref_slice %arg5[%scan3A_359, %swap3A_431, %swap3A_432] : memref<2x8x2048xf32, #tpu.memory_space<vmem>> -> memref<1x8x2048xf32, #tpu.memory_space<vmem>>
          %swap3A_434 = tpu.memref_squeeze %swap3A_433 : memref<1x8x2048xf32, #tpu.memory_space<vmem>> -> memref<8x2048xf32, #tpu.memory_space<vmem>>
          %swap3A_435 = arith.index_cast %swap3A_430 : i32 to index
          %swap3A_436 = arith.index_cast %mul3A_404 : i32 to index
          %swap3A_437 = tpu.vector_load %swap3A_434[%swap3A_435, %swap3A_436] {strides = array<i32>} : memref<8x2048xf32, #tpu.memory_space<vmem>>, vector<1x16xf32>,
          %swap3A_438 = vector.shape_cast %swap3A_437 : vector<1x16xf32> to vector<16xf32>
          %swap3A_439 = vector.shape_cast %mul3A_429 : vector<16xf32> to vector<1x16xf32>
          tpu.vector_store %swap3A_434[%swap3A_435, %swap3A_436], %swap3A_439 {strides = array<i32>} : memref<8x2048xf32, #tpu.memory_space<vmem>>, vector<1x16xf32>,
          %mul3A_440 = arith.constant 16 : i32
          %mul3A_441 = arith.muli %scan3A_367, %mul3A_440 : i32
          %get3A_442 = arith.constant 2 : i32
          %get3A_443 = arith.constant 0 : i32
          %get3A_444 = arith.constant 0 : i32
          %get3A_445 = tpu.memref_slice %arg6[%scan3A_358, %get3A_443, %get3A_444] : memref<2x8x2048xf32, #tpu.memory_space<vmem>> -> memref<1x8x2048xf32, #tpu.memory_space<vmem>>
          %get3A_446 = tpu.memref_squeeze %get3A_445 : memref<1x8x2048xf32, #tpu.memory_space<vmem>> -> memref<8x2048xf32, #tpu.memory_space<vmem>>
          %get3A_447 = arith.index_cast %get3A_442 : i32 to index
          %get3A_448 = arith.index_cast %mul3A_441 : i32 to index
          %get3A_449 = tpu.vector_load %get3A_446[%get3A_447, %get3A_448] {strides = array<i32>} : memref<8x2048xf32, #tpu.memory_space<vmem>>, vector<1x16xf32>,
          %get3A_450 = vector.shape_cast %get3A_449 : vector<1x16xf32> to vector<16xf32>
          %max3A_451 = arith.constant 0.000000e+00 : f32
          %max3A_452 = vector.broadcast %max3A_451 : f32 to vector<16xf32>
          %max3A_453 = arith.maximumf %get3A_450, %max3A_452 : vector<16xf32>
          %add3A_454 = arith.constant 9.99999971E-10 : f32
          %add3A_455 = vector.broadcast %add3A_454 : f32 to vector<16xf32>
          %add3A_456 = arith.addf %max3A_453, %add3A_455 : vector<16xf32>
          %get3A_457 = arith.constant 2 : i32
          %get3A_458 = arith.constant 0 : i32
          %get3A_459 = arith.constant 0 : i32
          %get3A_460 = tpu.memref_slice %arg5[%scan3A_359, %get3A_458, %get3A_459] : memref<2x8x2048xf32, #tpu.memory_space<vmem>> -> memref<1x8x2048xf32, #tpu.memory_space<vmem>>
          %get3A_461 = tpu.memref_squeeze %get3A_460 : memref<1x8x2048xf32, #tpu.memory_space<vmem>> -> memref<8x2048xf32, #tpu.memory_space<vmem>>
          %get3A_462 = arith.index_cast %get3A_457 : i32 to index
          %get3A_463 = arith.index_cast %mul3A_441 : i32 to index
          %get3A_464 = tpu.vector_load %get3A_461[%get3A_462, %get3A_463] {strides = array<i32>} : memref<8x2048xf32, #tpu.memory_space<vmem>>, vector<1x16xf32>,
          %get3A_465 = vector.shape_cast %get3A_464 : vector<1x16xf32> to vector<16xf32>
          %mul3A_466 = arith.mulf %get3A_465, %add3A_456 : vector<16xf32>
          %swap3A_467 = arith.constant 2 : i32
          %swap3A_468 = arith.constant 0 : i32
          %swap3A_469 = arith.constant 0 : i32
          %swap3A_470 = tpu.memref_slice %arg5[%scan3A_359, %swap3A_468, %swap3A_469] : memref<2x8x2048xf32, #tpu.memory_space<vmem>> -> memref<1x8x2048xf32, #tpu.memory_space<vmem>>
          %swap3A_471 = tpu.memref_squeeze %swap3A_470 : memref<1x8x2048xf32, #tpu.memory_space<vmem>> -> memref<8x2048xf32, #tpu.memory_space<vmem>>
          %swap3A_472 = arith.index_cast %swap3A_467 : i32 to index
          %swap3A_473 = arith.index_cast %mul3A_441 : i32 to index
          %swap3A_474 = tpu.vector_load %swap3A_471[%swap3A_472, %swap3A_473] {strides = array<i32>} : memref<8x2048xf32, #tpu.memory_space<vmem>>, vector<1x16xf32>,
          %swap3A_475 = vector.shape_cast %swap3A_474 : vector<1x16xf32> to vector<16xf32>
          %swap3A_476 = vector.shape_cast %mul3A_466 : vector<16xf32> to vector<1x16xf32>
          tpu.vector_store %swap3A_471[%swap3A_472, %swap3A_473], %swap3A_476 {strides = array<i32>} : memref<8x2048xf32, #tpu.memory_space<vmem>>, vector<1x16xf32>,
          %mul3A_477 = arith.constant 16 : i32
          %mul3A_478 = arith.muli %scan3A_367, %mul3A_477 : i32
          %get3A_479 = arith.constant 3 : i32
          %get3A_480 = arith.constant 0 : i32
          %get3A_481 = arith.constant 0 : i32
          %get3A_482 = tpu.memref_slice %arg6[%scan3A_358, %get3A_480, %get3A_481] : memref<2x8x2048xf32, #tpu.memory_space<vmem>> -> memref<1x8x2048xf32, #tpu.memory_space<vmem>>
          %get3A_483 = tpu.memref_squeeze %get3A_482 : memref<1x8x2048xf32, #tpu.memory_space<vmem>> -> memref<8x2048xf32, #tpu.memory_space<vmem>>
          %get3A_484 = arith.index_cast %get3A_479 : i32 to index
          %get3A_485 = arith.index_cast %mul3A_478 : i32 to index
          %get3A_486 = tpu.vector_load %get3A_483[%get3A_484, %get3A_485] {strides = array<i32>} : memref<8x2048xf32, #tpu.memory_space<vmem>>, vector<1x16xf32>,
          %get3A_487 = vector.shape_cast %get3A_486 : vector<1x16xf32> to vector<16xf32>
          %max3A_488 = arith.constant 0.000000e+00 : f32
          %max3A_489 = vector.broadcast %max3A_488 : f32 to vector<16xf32>
          %max3A_490 = arith.maximumf %get3A_487, %max3A_489 : vector<16xf32>
          %add3A_491 = arith.constant 9.99999971E-10 : f32
          %add3A_492 = vector.broadcast %add3A_491 : f32 to vector<16xf32>
          %add3A_493 = arith.addf %max3A_490, %add3A_492 : vector<16xf32>
          %get3A_494 = arith.constant 3 : i32
          %get3A_495 = arith.constant 0 : i32
          %get3A_496 = arith.constant 0 : i32
          %get3A_497 = tpu.memref_slice %arg5[%scan3A_359, %get3A_495, %get3A_496] : memref<2x8x2048xf32, #tpu.memory_space<vmem>> -> memref<1x8x2048xf32, #tpu.memory_space<vmem>>
          %get3A_498 = tpu.memref_squeeze %get3A_497 : memref<1x8x2048xf32, #tpu.memory_space<vmem>> -> memref<8x2048xf32, #tpu.memory_space<vmem>>
          %get3A_499 = arith.index_cast %get3A_494 : i32 to index
          %get3A_500 = arith.index_cast %mul3A_478 : i32 to index
          %get3A_501 = tpu.vector_load %get3A_498[%get3A_499, %get3A_500] {strides = array<i32>} : memref<8x2048xf32, #tpu.memory_space<vmem>>, vector<1x16xf32>,
          %get3A_502 = vector.shape_cast %get3A_501 : vector<1x16xf32> to vector<16xf32>
          %mul3A_503 = arith.mulf %get3A_502, %add3A_493 : vector<16xf32>
          %swap3A_504 = arith.constant 3 : i32
          %swap3A_505 = arith.constant 0 : i32
          %swap3A_506 = arith.constant 0 : i32
          %swap3A_507 = tpu.memref_slice %arg5[%scan3A_359, %swap3A_505, %swap3A_506] : memref<2x8x2048xf32, #tpu.memory_space<vmem>> -> memref<1x8x2048xf32, #tpu.memory_space<vmem>>
          %swap3A_508 = tpu.memref_squeeze %swap3A_507 : memref<1x8x2048xf32, #tpu.memory_space<vmem>> -> memref<8x2048xf32, #tpu.memory_space<vmem>>
          %swap3A_509 = arith.index_cast %swap3A_504 : i32 to index
          %swap3A_510 = arith.index_cast %mul3A_478 : i32 to index
          %swap3A_511 = tpu.vector_load %swap3A_508[%swap3A_509, %swap3A_510] {strides = array<i32>} : memref<8x2048xf32, #tpu.memory_space<vmem>>, vector<1x16xf32>,
          %swap3A_512 = vector.shape_cast %swap3A_511 : vector<1x16xf32> to vector<16xf32>
          %swap3A_513 = vector.shape_cast %mul3A_503 : vector<16xf32> to vector<1x16xf32>
          tpu.vector_store %swap3A_508[%swap3A_509, %swap3A_510], %swap3A_513 {strides = array<i32>} : memref<8x2048xf32, #tpu.memory_space<vmem>>, vector<1x16xf32>,
          %mul3A_514 = arith.constant 16 : i32
          %mul3A_515 = arith.muli %scan3A_367, %mul3A_514 : i32
          %get3A_516 = arith.constant 4 : i32
          %get3A_517 = arith.constant 0 : i32
          %get3A_518 = arith.constant 0 : i32
          %get3A_519 = tpu.memref_slice %arg6[%scan3A_358, %get3A_517, %get3A_518] : memref<2x8x2048xf32, #tpu.memory_space<vmem>> -> memref<1x8x2048xf32, #tpu.memory_space<vmem>>
          %get3A_520 = tpu.memref_squeeze %get3A_519 : memref<1x8x2048xf32, #tpu.memory_space<vmem>> -> memref<8x2048xf32, #tpu.memory_space<vmem>>
          %get3A_521 = arith.index_cast %get3A_516 : i32 to index
          %get3A_522 = arith.index_cast %mul3A_515 : i32 to index
          %get3A_523 = tpu.vector_load %get3A_520[%get3A_521, %get3A_522] {strides = array<i32>} : memref<8x2048xf32, #tpu.memory_space<vmem>>, vector<1x16xf32>,
          %get3A_524 = vector.shape_cast %get3A_523 : vector<1x16xf32> to vector<16xf32>
          %max3A_525 = arith.constant 0.000000e+00 : f32
          %max3A_526 = vector.broadcast %max3A_525 : f32 to vector<16xf32>
          %max3A_527 = arith.maximumf %get3A_524, %max3A_526 : vector<16xf32>
          %add3A_528 = arith.constant 9.99999971E-10 : f32
          %add3A_529 = vector.broadcast %add3A_528 : f32 to vector<16xf32>
          %add3A_530 = arith.addf %max3A_527, %add3A_529 : vector<16xf32>
          %get3A_531 = arith.constant 4 : i32
          %get3A_532 = arith.constant 0 : i32
          %get3A_533 = arith.constant 0 : i32
          %get3A_534 = tpu.memref_slice %arg5[%scan3A_359, %get3A_532, %get3A_533] : memref<2x8x2048xf32, #tpu.memory_space<vmem>> -> memref<1x8x2048xf32, #tpu.memory_space<vmem>>
          %get3A_535 = tpu.memref_squeeze %get3A_534 : memref<1x8x2048xf32, #tpu.memory_space<vmem>> -> memref<8x2048xf32, #tpu.memory_space<vmem>>
          %get3A_536 = arith.index_cast %get3A_531 : i32 to index
          %get3A_537 = arith.index_cast %mul3A_515 : i32 to index
          %get3A_538 = tpu.vector_load %get3A_535[%get3A_536, %get3A_537] {strides = array<i32>} : memref<8x2048xf32, #tpu.memory_space<vmem>>, vector<1x16xf32>,
          %get3A_539 = vector.shape_cast %get3A_538 : vector<1x16xf32> to vector<16xf32>
          %mul3A_540 = arith.mulf %get3A_539, %add3A_530 : vector<16xf32>
          %swap3A_541 = arith.constant 4 : i32
          %swap3A_542 = arith.constant 0 : i32
          %swap3A_543 = arith.constant 0 : i32
          %swap3A_544 = tpu.memref_slice %arg5[%scan3A_359, %swap3A_542, %swap3A_543] : memref<2x8x2048xf32, #tpu.memory_space<vmem>> -> memref<1x8x2048xf32, #tpu.memory_space<vmem>>
          %swap3A_545 = tpu.memref_squeeze %swap3A_544 : memref<1x8x2048xf32, #tpu.memory_space<vmem>> -> memref<8x2048xf32, #tpu.memory_space<vmem>>
          %swap3A_546 = arith.index_cast %swap3A_541 : i32 to index
          %swap3A_547 = arith.index_cast %mul3A_515 : i32 to index
          %swap3A_548 = tpu.vector_load %swap3A_545[%swap3A_546, %swap3A_547] {strides = array<i32>} : memref<8x2048xf32, #tpu.memory_space<vmem>>, vector<1x16xf32>,
          %swap3A_549 = vector.shape_cast %swap3A_548 : vector<1x16xf32> to vector<16xf32>
          %swap3A_550 = vector.shape_cast %mul3A_540 : vector<16xf32> to vector<1x16xf32>
          tpu.vector_store %swap3A_545[%swap3A_546, %swap3A_547], %swap3A_550 {strides = array<i32>} : memref<8x2048xf32, #tpu.memory_space<vmem>>, vector<1x16xf32>,
          %mul3A_551 = arith.constant 16 : i32
          %mul3A_552 = arith.muli %scan3A_367, %mul3A_551 : i32
          %get3A_553 = arith.constant 5 : i32
          %get3A_554 = arith.constant 0 : i32
          %get3A_555 = arith.constant 0 : i32
          %get3A_556 = tpu.memref_slice %arg6[%scan3A_358, %get3A_554, %get3A_555] : memref<2x8x2048xf32, #tpu.memory_space<vmem>> -> memref<1x8x2048xf32, #tpu.memory_space<vmem>>
          %get3A_557 = tpu.memref_squeeze %get3A_556 : memref<1x8x2048xf32, #tpu.memory_space<vmem>> -> memref<8x2048xf32, #tpu.memory_space<vmem>>
          %get3A_558 = arith.index_cast %get3A_553 : i32 to index
          %get3A_559 = arith.index_cast %mul3A_552 : i32 to index
          %get3A_560 = tpu.vector_load %get3A_557[%get3A_558, %get3A_559] {strides = array<i32>} : memref<8x2048xf32, #tpu.memory_space<vmem>>, vector<1x16xf32>,
          %get3A_561 = vector.shape_cast %get3A_560 : vector<1x16xf32> to vector<16xf32>
          %max3A_562 = arith.constant 0.000000e+00 : f32
          %max3A_563 = vector.broadcast %max3A_562 : f32 to vector<16xf32>
          %max3A_564 = arith.maximumf %get3A_561, %max3A_563 : vector<16xf32>
          %add3A_565 = arith.constant 9.99999971E-10 : f32
          %add3A_566 = vector.broadcast %add3A_565 : f32 to vector<16xf32>
          %add3A_567 = arith.addf %max3A_564, %add3A_566 : vector<16xf32>
          %get3A_568 = arith.constant 5 : i32
          %get3A_569 = arith.constant 0 : i32
          %get3A_570 = arith.constant 0 : i32
          %get3A_571 = tpu.memref_slice %arg5[%scan3A_359, %get3A_569, %get3A_570] : memref<2x8x2048xf32, #tpu.memory_space<vmem>> -> memref<1x8x2048xf32, #tpu.memory_space<vmem>>
          %get3A_572 = tpu.memref_squeeze %get3A_571 : memref<1x8x2048xf32, #tpu.memory_space<vmem>> -> memref<8x2048xf32, #tpu.memory_space<vmem>>
          %get3A_573 = arith.index_cast %get3A_568 : i32 to index
          %get3A_574 = arith.index_cast %mul3A_552 : i32 to index
          %get3A_575 = tpu.vector_load %get3A_572[%get3A_573, %get3A_574] {strides = array<i32>} : memref<8x2048xf32, #tpu.memory_space<vmem>>, vector<1x16xf32>,
          %get3A_576 = vector.shape_cast %get3A_575 : vector<1x16xf32> to vector<16xf32>
          %mul3A_577 = arith.mulf %get3A_576, %add3A_567 : vector<16xf32>
          %swap3A_578 = arith.constant 5 : i32
          %swap3A_579 = arith.constant 0 : i32
          %swap3A_580 = arith.constant 0 : i32
          %swap3A_581 = tpu.memref_slice %arg5[%scan3A_359, %swap3A_579, %swap3A_580] : memref<2x8x2048xf32, #tpu.memory_space<vmem>> -> memref<1x8x2048xf32, #tpu.memory_space<vmem>>
          %swap3A_582 = tpu.memref_squeeze %swap3A_581 : memref<1x8x2048xf32, #tpu.memory_space<vmem>> -> memref<8x2048xf32, #tpu.memory_space<vmem>>
          %swap3A_583 = arith.index_cast %swap3A_578 : i32 to index
          %swap3A_584 = arith.index_cast %mul3A_552 : i32 to index
          %swap3A_585 = tpu.vector_load %swap3A_582[%swap3A_583, %swap3A_584] {strides = array<i32>} : memref<8x2048xf32, #tpu.memory_space<vmem>>, vector<1x16xf32>,
          %swap3A_586 = vector.shape_cast %swap3A_585 : vector<1x16xf32> to vector<16xf32>
          %swap3A_587 = vector.shape_cast %mul3A_577 : vector<16xf32> to vector<1x16xf32>
          tpu.vector_store %swap3A_582[%swap3A_583, %swap3A_584], %swap3A_587 {strides = array<i32>} : memref<8x2048xf32, #tpu.memory_space<vmem>>, vector<1x16xf32>,
          %mul3A_588 = arith.constant 16 : i32
          %mul3A_589 = arith.muli %scan3A_367, %mul3A_588 : i32
          %get3A_590 = arith.constant 6 : i32
          %get3A_591 = arith.constant 0 : i32
          %get3A_592 = arith.constant 0 : i32
          %get3A_593 = tpu.memref_slice %arg6[%scan3A_358, %get3A_591, %get3A_592] : memref<2x8x2048xf32, #tpu.memory_space<vmem>> -> memref<1x8x2048xf32, #tpu.memory_space<vmem>>
          %get3A_594 = tpu.memref_squeeze %get3A_593 : memref<1x8x2048xf32, #tpu.memory_space<vmem>> -> memref<8x2048xf32, #tpu.memory_space<vmem>>
          %get3A_595 = arith.index_cast %get3A_590 : i32 to index
          %get3A_596 = arith.index_cast %mul3A_589 : i32 to index
          %get3A_597 = tpu.vector_load %get3A_594[%get3A_595, %get3A_596] {strides = array<i32>} : memref<8x2048xf32, #tpu.memory_space<vmem>>, vector<1x16xf32>,
          %get3A_598 = vector.shape_cast %get3A_597 : vector<1x16xf32> to vector<16xf32>
          %max3A_599 = arith.constant 0.000000e+00 : f32
          %max3A_600 = vector.broadcast %max3A_599 : f32 to vector<16xf32>
          %max3A_601 = arith.maximumf %get3A_598, %max3A_600 : vector<16xf32>
          %add3A_602 = arith.constant 9.99999971E-10 : f32
          %add3A_603 = vector.broadcast %add3A_602 : f32 to vector<16xf32>
          %add3A_604 = arith.addf %max3A_601, %add3A_603 : vector<16xf32>
          %get3A_605 = arith.constant 6 : i32
          %get3A_606 = arith.constant 0 : i32
          %get3A_607 = arith.constant 0 : i32
          %get3A_608 = tpu.memref_slice %arg5[%scan3A_359, %get3A_606, %get3A_607] : memref<2x8x2048xf32, #tpu.memory_space<vmem>> -> memref<1x8x2048xf32, #tpu.memory_space<vmem>>
          %get3A_609 = tpu.memref_squeeze %get3A_608 : memref<1x8x2048xf32, #tpu.memory_space<vmem>> -> memref<8x2048xf32, #tpu.memory_space<vmem>>
          %get3A_610 = arith.index_cast %get3A_605 : i32 to index
          %get3A_611 = arith.index_cast %mul3A_589 : i32 to index
          %get3A_612 = tpu.vector_load %get3A_609[%get3A_610, %get3A_611] {strides = array<i32>} : memref<8x2048xf32, #tpu.memory_space<vmem>>, vector<1x16xf32>,
          %get3A_613 = vector.shape_cast %get3A_612 : vector<1x16xf32> to vector<16xf32>
          %mul3A_614 = arith.mulf %get3A_613, %add3A_604 : vector<16xf32>
          %swap3A_615 = arith.constant 6 : i32
          %swap3A_616 = arith.constant 0 : i32
          %swap3A_617 = arith.constant 0 : i32
          %swap3A_618 = tpu.memref_slice %arg5[%scan3A_359, %swap3A_616, %swap3A_617] : memref<2x8x2048xf32, #tpu.memory_space<vmem>> -> memref<1x8x2048xf32, #tpu.memory_space<vmem>>
          %swap3A_619 = tpu.memref_squeeze %swap3A_618 : memref<1x8x2048xf32, #tpu.memory_space<vmem>> -> memref<8x2048xf32, #tpu.memory_space<vmem>>
          %swap3A_620 = arith.index_cast %swap3A_615 : i32 to index
          %swap3A_621 = arith.index_cast %mul3A_589 : i32 to index
          %swap3A_622 = tpu.vector_load %swap3A_619[%swap3A_620, %swap3A_621] {strides = array<i32>} : memref<8x2048xf32, #tpu.memory_space<vmem>>, vector<1x16xf32>,
          %swap3A_623 = vector.shape_cast %swap3A_622 : vector<1x16xf32> to vector<16xf32>
          %swap3A_624 = vector.shape_cast %mul3A_614 : vector<16xf32> to vector<1x16xf32>
          tpu.vector_store %swap3A_619[%swap3A_620, %swap3A_621], %swap3A_624 {strides = array<i32>} : memref<8x2048xf32, #tpu.memory_space<vmem>>, vector<1x16xf32>,
          %mul3A_625 = arith.constant 16 : i32
          %mul3A_626 = arith.muli %scan3A_367, %mul3A_625 : i32
          %get3A_627 = arith.constant 7 : i32
          %get3A_628 = arith.constant 0 : i32
          %get3A_629 = arith.constant 0 : i32
          %get3A_630 = tpu.memref_slice %arg6[%scan3A_358, %get3A_628, %get3A_629] : memref<2x8x2048xf32, #tpu.memory_space<vmem>> -> memref<1x8x2048xf32, #tpu.memory_space<vmem>>
          %get3A_631 = tpu.memref_squeeze %get3A_630 : memref<1x8x2048xf32, #tpu.memory_space<vmem>> -> memref<8x2048xf32, #tpu.memory_space<vmem>>
          %get3A_632 = arith.index_cast %get3A_627 : i32 to index
          %get3A_633 = arith.index_cast %mul3A_626 : i32 to index
          %get3A_634 = tpu.vector_load %get3A_631[%get3A_632, %get3A_633] {strides = array<i32>} : memref<8x2048xf32, #tpu.memory_space<vmem>>, vector<1x16xf32>,
          %get3A_635 = vector.shape_cast %get3A_634 : vector<1x16xf32> to vector<16xf32>
          %max3A_636 = arith.constant 0.000000e+00 : f32
          %max3A_637 = vector.broadcast %max3A_636 : f32 to vector<16xf32>
          %max3A_638 = arith.maximumf %get3A_635, %max3A_637 : vector<16xf32>
          %add3A_639 = arith.constant 9.99999971E-10 : f32
          %add3A_640 = vector.broadcast %add3A_639 : f32 to vector<16xf32>
          %add3A_641 = arith.addf %max3A_638, %add3A_640 : vector<16xf32>
          %get3A_642 = arith.constant 7 : i32
          %get3A_643 = arith.constant 0 : i32
          %get3A_644 = arith.constant 0 : i32
          %get3A_645 = tpu.memref_slice %arg5[%scan3A_359, %get3A_643, %get3A_644] : memref<2x8x2048xf32, #tpu.memory_space<vmem>> -> memref<1x8x2048xf32, #tpu.memory_space<vmem>>
          %get3A_646 = tpu.memref_squeeze %get3A_645 : memref<1x8x2048xf32, #tpu.memory_space<vmem>> -> memref<8x2048xf32, #tpu.memory_space<vmem>>
          %get3A_647 = arith.index_cast %get3A_642 : i32 to index
          %get3A_648 = arith.index_cast %mul3A_626 : i32 to index
          %get3A_649 = tpu.vector_load %get3A_646[%get3A_647, %get3A_648] {strides = array<i32>} : memref<8x2048xf32, #tpu.memory_space<vmem>>, vector<1x16xf32>,
          %get3A_650 = vector.shape_cast %get3A_649 : vector<1x16xf32> to vector<16xf32>
          %mul3A_651 = arith.mulf %get3A_650, %add3A_641 : vector<16xf32>
          %swap3A_652 = arith.constant 7 : i32
          %swap3A_653 = arith.constant 0 : i32
          %swap3A_654 = arith.constant 0 : i32
          %swap3A_655 = tpu.memref_slice %arg5[%scan3A_359, %swap3A_653, %swap3A_654] : memref<2x8x2048xf32, #tpu.memory_space<vmem>> -> memref<1x8x2048xf32, #tpu.memory_space<vmem>>
          %swap3A_656 = tpu.memref_squeeze %swap3A_655 : memref<1x8x2048xf32, #tpu.memory_space<vmem>> -> memref<8x2048xf32, #tpu.memory_space<vmem>>
          %swap3A_657 = arith.index_cast %swap3A_652 : i32 to index
          %swap3A_658 = arith.index_cast %mul3A_626 : i32 to index
          %swap3A_659 = tpu.vector_load %swap3A_656[%swap3A_657, %swap3A_658] {strides = array<i32>} : memref<8x2048xf32, #tpu.memory_space<vmem>>, vector<1x16xf32>,
          %swap3A_660 = vector.shape_cast %swap3A_659 : vector<1x16xf32> to vector<16xf32>
          %swap3A_661 = vector.shape_cast %mul3A_651 : vector<16xf32> to vector<1x16xf32>
          tpu.vector_store %swap3A_656[%swap3A_657, %swap3A_658], %swap3A_661 {strides = array<i32>} : memref<8x2048xf32, #tpu.memory_space<vmem>>, vector<1x16xf32>,
          %scan3A_662 = arith.constant 0 : i32
          scf.yield %scan3A_662 : i32
        }
        %scan3A_366 = arith.constant 32 : i32
      } else {
      }
      %run_scoped3A_356 = arith.constant 0 : i32
      "tpu.region"() ({
        %run_scoped3A_357 = tpu.sem_alloc : memref<!tpu.dma_semaphore, #tpu.memory_space<semaphore_mem>>
        %dma_start3A_358 = arith.constant 0 : i32
        %dma_start3A_359 = arith.constant 0 : i32
        %dma_start3A_360 = tpu.memref_slice %arg5[%run_scoped3A_356, %dma_start3A_358, %dma_start3A_359] : memref<2x8x2048xf32, #tpu.memory_space<vmem>> -> memref<1x8x512xf32, #tpu.memory_space<vmem>>
        %dma_start3A_361 = tpu.memref_squeeze %dma_start3A_360 : memref<1x8x512xf32, #tpu.memory_space<vmem>> -> memref<8x512xf32, #tpu.memory_space<vmem>>
        %dma_start3A_362 = arith.constant 999424 : i32
        %dma_start3A_363 = tpu.memref_slice %arg4[%select_n3A_332, %mul3A_350, %dma_start3A_362] : memref<2x16x1000000xf32, #tpu.memory_space<hbm>> -> memref<1x8x512xf32, #tpu.memory_space<hbm>>
        %dma_start3A_364 = tpu.memref_squeeze %dma_start3A_363 : memref<1x8x512xf32, #tpu.memory_space<hbm>> -> memref<8x512xf32, #tpu.memory_space<hbm>>
        %dma_start3A_365 = arith.constant 999424 : i32
        %dma_start3A_366 = tpu.memref_slice %arg4[%select_n3A_332, %mul3A_350, %dma_start3A_365] : memref<2x16x1000000xf32, #tpu.memory_space<hbm>> -> memref<1x8x512xf32, #tpu.memory_space<hbm>>
        %dma_start3A_367 = tpu.memref_squeeze %dma_start3A_366 : memref<1x8x512xf32, #tpu.memory_space<hbm>> -> memref<8x512xf32, #tpu.memory_space<hbm>>
        %dma_start3A_368 = arith.constant 0 : i32
        %dma_start3A_369 = arith.constant 0 : i32
        %dma_start3A_370 = tpu.memref_slice %arg5[%run_scoped3A_356, %dma_start3A_368, %dma_start3A_369] : memref<2x8x2048xf32, #tpu.memory_space<vmem>> -> memref<1x8x512xf32, #tpu.memory_space<vmem>>
        %dma_start3A_371 = tpu.memref_squeeze %dma_start3A_370 : memref<1x8x512xf32, #tpu.memory_space<vmem>> -> memref<8x512xf32, #tpu.memory_space<vmem>>
        tpu.enqueue_dma source(%dma_start3A_371 : memref<8x512xf32, #tpu.memory_space<vmem>>) target(%dma_start3A_367 : memref<8x512xf32, #tpu.memory_space<hbm>>) target_semaphore(%run_scoped3A_357 : memref<!tpu.dma_semaphore, #tpu.memory_space<semaphore_mem>>)
        %dma_wait3A_372 = arith.constant 0 : i32
        %dma_wait3A_373 = arith.constant 0 : i32
        %dma_wait3A_374 = tpu.memref_slice %arg5[%run_scoped3A_356, %dma_wait3A_372, %dma_wait3A_373] : memref<2x8x2048xf32, #tpu.memory_space<vmem>> -> memref<1x8x512xf32, #tpu.memory_space<vmem>>
        %dma_wait3A_375 = tpu.memref_squeeze %dma_wait3A_374 : memref<1x8x512xf32, #tpu.memory_space<vmem>> -> memref<8x512xf32, #tpu.memory_space<vmem>>
        %dma_wait3A_376 = arith.constant 999424 : i32
        %dma_wait3A_377 = tpu.memref_slice %arg4[%select_n3A_332, %mul3A_350, %dma_wait3A_376] : memref<2x16x1000000xf32, #tpu.memory_space<hbm>> -> memref<1x8x512xf32, #tpu.memory_space<hbm>>
        %dma_wait3A_378 = tpu.memref_squeeze %dma_wait3A_377 : memref<1x8x512xf32, #tpu.memory_space<hbm>> -> memref<8x512xf32, #tpu.memory_space<hbm>>
        %dma_wait3A_379 = arith.constant 999424 : i32
        %dma_wait3A_380 = tpu.memref_slice %arg4[%select_n3A_332, %mul3A_350, %dma_wait3A_379] : memref<2x16x1000000xf32, #tpu.memory_space<hbm>> -> memref<1x8x512xf32, #tpu.memory_space<hbm>>
        %dma_wait3A_381 = tpu.memref_squeeze %dma_wait3A_380 : memref<1x8x512xf32, #tpu.memory_space<hbm>> -> memref<8x512xf32, #tpu.memory_space<hbm>>
        %dma_wait3A_382 = arith.constant 0 : i32
        %dma_wait3A_383 = arith.constant 0 : i32
        %dma_wait3A_384 = tpu.memref_slice %arg5[%run_scoped3A_356, %dma_wait3A_382, %dma_wait3A_383] : memref<2x8x2048xf32, #tpu.memory_space<vmem>> -> memref<1x8x512xf32, #tpu.memory_space<vmem>>
        %dma_wait3A_385 = tpu.memref_squeeze %dma_wait3A_384 : memref<1x8x512xf32, #tpu.memory_space<vmem>> -> memref<8x512xf32, #tpu.memory_space<vmem>>
        tpu.wait_dma2 semaphore(%run_scoped3A_357 : memref<!tpu.dma_semaphore, #tpu.memory_space<semaphore_mem>>) src(%dma_wait3A_385 : memref<8x512xf32, #tpu.memory_space<vmem>>) dst(%dma_wait3A_381 : memref<8x512xf32, #tpu.memory_space<hbm>>)
        tpu.yield
      }) : () -> ()
    } else {
    }
    return
  }
}

module attributes {stable_mosaic.version = 14 : i64} {
  func.func @_tc_tail_kernel(%arg0: i32, %arg1: memref<2x16x128xf32, #tpu.memory_space<vmem>>, %arg2: memref<16x128xf32, #tpu.memory_space<vmem>>, %arg3: memref<2x16x128xf32, #tpu.memory_space<vmem>>, %arg4: memref<2x16x128xf32, #tpu.memory_space<vmem>>) attributes {dimension_semantics = [#tpu.dimension_semantics<arbitrary>], iteration_bounds = array<i64: 1>, scalar_prefetch = 0 : i64, scratch_operands = 0 : i64, tpu.core_type = #tpu.core_type<tc>, window_params = [{transform_indices = @transform_0, window_bounds = array<i64: 2, 16, 128>}, {transform_indices = @transform_1, window_bounds = array<i64: 16, 128>}, {transform_indices = @transform_2, window_bounds = array<i64: 2, 16, 128>}, {transform_indices = @transform_3, window_bounds = array<i64: 2, 16, 128>}]} {
    %get3A = arith.constant 0 : index
    %get3A_0 = arith.constant 0 : index
    %get3A_1 = vector.load %arg2[%get3A, %get3A_0] : memref<16x128xf32, #tpu.memory_space<vmem>>, vector<16x128xf32>
    %max3A = arith.constant 0.000000e+00 : f32
    %max3A_2 = vector.broadcast %max3A : f32 to vector<16x128xf32>
    %max3A_3 = arith.maximumf %get3A_1, %max3A_2 : vector<16x128xf32>
    %add3A = arith.constant 9.99999971E-10 : f32
    %add3A_4 = vector.broadcast %add3A : f32 to vector<16x128xf32>
    %add3A_5 = arith.addf %max3A_3, %add3A_4 : vector<16x128xf32>
    %get3A_6 = arith.constant 0 : index
    %get3A_7 = arith.constant 0 : index
    %get3A_8 = arith.constant 0 : index
    %get3A_9 = vector.load %arg3[%get3A_6, %get3A_7, %get3A_8] : memref<2x16x128xf32, #tpu.memory_space<vmem>>, vector<1x16x128xf32>
    %get3A_10 = vector.shape_cast %get3A_9 : vector<1x16x128xf32> to vector<16x128xf32>
    %swap3A = arith.constant 0 : index
    %swap3A_11 = arith.constant 0 : index
    %swap3A_12 = arith.constant 0 : index
    %swap3A_13 = vector.load %arg4[%swap3A, %swap3A_11, %swap3A_12] : memref<2x16x128xf32, #tpu.memory_space<vmem>>, vector<1x16x128xf32>
    %swap3A_14 = vector.shape_cast %swap3A_13 : vector<1x16x128xf32> to vector<16x128xf32>
    %swap3A_15 = vector.shape_cast %get3A_10 : vector<16x128xf32> to vector<1x16x128xf32>
    tpu.vector_store %arg4[%swap3A, %swap3A_11, %swap3A_12], %swap3A_15 {strides = array<i32>} : memref<2x16x128xf32, #tpu.memory_space<vmem>>, vector<1x16x128xf32>,
    %get3A_16 = arith.constant 1 : index
    %get3A_17 = arith.constant 0 : index
    %get3A_18 = arith.constant 0 : index
    %get3A_19 = vector.load %arg3[%get3A_16, %get3A_17, %get3A_18] : memref<2x16x128xf32, #tpu.memory_space<vmem>>, vector<1x16x128xf32>
    %get3A_20 = vector.shape_cast %get3A_19 : vector<1x16x128xf32> to vector<16x128xf32>
    %mul3A = arith.mulf %get3A_20, %add3A_5 : vector<16x128xf32>
    %swap3A_21 = arith.constant 1 : index
    %swap3A_22 = arith.constant 0 : index
    %swap3A_23 = arith.constant 0 : index
    %swap3A_24 = vector.load %arg4[%swap3A_21, %swap3A_22, %swap3A_23] : memref<2x16x128xf32, #tpu.memory_space<vmem>>, vector<1x16x128xf32>
    %swap3A_25 = vector.shape_cast %swap3A_24 : vector<1x16x128xf32> to vector<16x128xf32>
    %swap3A_26 = vector.shape_cast %mul3A : vector<16x128xf32> to vector<1x16x128xf32>
    tpu.vector_store %arg4[%swap3A_21, %swap3A_22, %swap3A_23], %swap3A_26 {strides = array<i32>} : memref<2x16x128xf32, #tpu.memory_space<vmem>>, vector<1x16x128xf32>,
    return
  }
  func.func @transform_0(%arg0: i32) -> (i32, i32, i32) {
    %c0_i32 = arith.constant 0 : i32
    %c0_i32_0 = arith.constant 0 : i32
    %c7812_i32 = arith.constant 7812 : i32
    %c0_i32_1 = arith.constant 0 : i32
    return %c0_i32, %c0_i32_0, %c7812_i32 : i32, i32, i32
  }
  func.func @transform_1(%arg0: i32) -> (i32, i32) {
    %c0_i32 = arith.constant 0 : i32
    %c7812_i32 = arith.constant 7812 : i32
    %c0_i32_0 = arith.constant 0 : i32
    return %c0_i32, %c7812_i32 : i32, i32
  }
  func.func @transform_2(%arg0: i32) -> (i32, i32, i32) {
    %c0_i32 = arith.constant 0 : i32
    %c0_i32_0 = arith.constant 0 : i32
    %c7812_i32 = arith.constant 7812 : i32
    %c0_i32_1 = arith.constant 0 : i32
    return %c0_i32, %c0_i32_0, %c7812_i32 : i32, i32, i32
  }
  func.func @transform_3(%arg0: i32) -> (i32, i32, i32) {
    %c0_i32 = arith.constant 0 : i32
    %c0_i32_0 = arith.constant 0 : i32
    %c7812_i32 = arith.constant 7812 : i32
    %c0_i32_1 = arith.constant 0 : i32
    return %c0_i32, %c0_i32_0, %c7812_i32 : i32, i32, i32
  }
}

</mosaic_0001>

<sc_bundles>
// kernel: kernel.4.cloned.1.call-start
scs
__scs_entry_jumppad:
0x0: {  	(pc) =	sbr.rel $0x88, $3  }
0x1: {  	(tag) =	ssettag $0x0;
	lr =	simm.s32 $0x1  }
0x2: {  	[smem:$0x3F9F] =	sst lr;
	_ =	strace $0xD0000000  }
0x3: {  	_ = 	snop  }
0x4: {  	_ = 	snop  }
0x5: {  	_ = 	snop  }
0x6: {  	_ = 	snop  }
0x7: {  	_ = 	snop  }
__scs_overlays_trampoline_lowered:
0x8: {  	[smem:$0x3FAE] =	sst s0  }
0x9: {  	[smem:$0x3FAF] =	sst s1  }
0xa: {  	[smem:$0x3FB0] =	sst s2  }
0xb: {  	[smem:$0x3FB1] =	sst s3  }
0xc: {  	[smem:$0x3FB2] =	sst s4  }
0xd: {  	[smem:$0x3FB3] =	sst s5  }
0xe: {  	[smem:$0x3FB4] =	sst s6  }
0xf: {  	[smem:$0x3FB5] =	sst s7  }
0x10: {  	[smem:$0x3FB6] =	sst s8  }
0x11: {  	[smem:$0x3FB7] =	sst s9;
	s0 =	simm.s32 @!p0 $0x0  }
0x12: {  	s1 =	sld [smem:$0x3F9D];
	s0 =	simm.s32 @p0 $0x1  }
0x13: {  	[smem:$0x3FB8] =	sst s0;
	s0 =	simm.s32 @!p1 $0x0  }
0x14: {  	s2 =	sld [smem:$0x3F9C];
	s0 =	simm.s32 @p1 $0x1  }
0x15: {  	[smem:$0x3FB9] =	sst s0;
	s0 =	simm.s32 @!p2 $0x0  }
0x16: {  	s3 =	sld [smem:$0x3FDB];
	s0 =	simm.s32 @p2 $0x1  }
0x17: {  	s4 =	simm.s32 $0x1BF5;
	[smem:$0x3FBB] =	sst s0  }
0x18: {  	s0 =	sld [smem:$0x3F9E];
	_ =	swait.ge [sflag:s4], $0x0  }
0x19: {  	s7 =	sld [smem:$0x3F9F]  }
0x1a: {  	s8 =	sadd.s32 $0xFFFFE003, lr  }
0x1b: {  	s9 =	sadd.s32 $0xFFFFFEF7, lr;
	s5 =	simm.s32 $0xFFFFFFFF;
	p2 =	slt.u32 s8, $0xFFFFF086  }
0x1c: {  	p1 =	slt.u32 s9, $0xF7A;
	s5 =	simm.s32 @!p2 $0x0  }
0x1d: {  	s5 =	simm.s32 @p1 $0x1;
	p0 =	seq.s32 s7, s2  }
0x1e: {  	s7 =	smul.u32 @!p0 $0xF7A, s2;
	p2 =	seq.s32 @!p0 s5, $0x0  }
0x1f: {  	s9 =	smul.u32 $0xF7A, s1;
	s8 =	simm.s32 @!p0 $0x1BF5;
	p2 =	por !p2, p0  }
0x20: {  	[sflag:s8] =	ssyncset.s32 @!p0 $0xFFFFF086;
	s6 =	sadd.s32 @!p0 s3, s7;
	s7 =	simm.s32 @!p0 $0x108  }
0x21: {  	s3 =	sadd.s32 s3, s9;
	s6 =	sadd.s32 @!p0 $0x88, s6;
	s7 =	simm.s32 @p2 $0x1082  }
0x22: {  	[simem:s7], [sflag:s8] =	dma.local @!p0 [hbm:s6], $0xF7A  }
0x23: {  	s9 =	sor.u32 $0xD0000000, s2;
	s6 =	simm.s32 $0x108;
	_ =	swait.ge @!p0 [sflag:s8], $0x0  }
0x24: {  	s3 =	sadd.s32 $0x88, s3;
	s6 =	simm.s32 @!p1 $0x1082;
	[sflag:s4] =	ssyncset.s32 $0xFFFFF086  }
0x25: {  	[simem:s6], [sflag:s4] =	dma.local [hbm:s3], $0xF7A  }
0x26: {  	[smem:$0x3F9F] =	sst s1;
	(tag) =	ssettag s2;
	_ =	strace s9  }
0x27: {  	s1 =	sld [smem:$0x3FAF]  }
0x28: {  	s2 =	sld [smem:$0x3FB0]  }
0x29: {  	s4 =	sld [smem:$0x3FB2]  }
0x2a: {  	p0 =	seq.s32 s5, $0x0;
	s5 =	sld [smem:$0x3FB3]  }
0x2b: {  	s6 =	sld [smem:$0x3FB4]  }
0x2c: {  	s7 =	sld [smem:$0x3FB5]  }
0x2d: {  	s3 =	simm.s32 $0x108;
	s8 =	sld [smem:$0x3FB6]  }
0x2e: {  	s3 =	simm.s32 @!p0 $0x1082;
	s9 =	sld [smem:$0x3FB7]  }
0x2f: {  	lr =	sadd.s32 s0, s3;
	s0 =	sld [smem:$0x3FAE]  }
0x30: {  	s3 =	sld [smem:$0x3FB1]  }
0x31: {  	[smem:$0x3FBA] =	sst s10  }
0x32: {  	s10 =	sld [smem:$0x3FB8];
	_ =	sdelay $0x3  }
0x33: {  	p0 =	seq.s32 s10, $0x1;
	s10 =	sld [smem:$0x3FBA];
	_ =	sdelay $0x3  }
0x34: {  	[smem:$0x3FBA] =	sst s10  }
0x35: {  	s10 =	sld [smem:$0x3FB9];
	_ =	sdelay $0x3  }
0x36: {  	p1 =	seq.s32 s10, $0x1;
	s10 =	sld [smem:$0x3FBA];
	_ =	sdelay $0x3  }
0x37: {  	[smem:$0x3FBA] =	sst s10  }
0x38: {  	s10 =	sld [smem:$0x3FBB]  }
0x39: {  	_ = 	snop;
	(pc) =	sbr.ind lr, $3  }
0x3a: {  	_ = 	snop  }
0x3b: {  	_ = 	snop  }
0x3c: {  	p2 =	seq.s32 s10, $0x1;
	s10 =	sld [smem:$0x3FBA]  }
0x3d: {  	_ =	shalt  }
0x3e: {  	_ =	shalt  }
0x3f: {  	_ =	shalt  }
0x40: {  	_ =	shalt  }
0x41: {  	_ =	shalt  }
0x42: {  	_ =	shalt  }
0x43: {  	_ =	shalt  }
0x44: {  	_ =	shalt  }
0x45: {  	_ =	shalt  }
0x46: {  	_ =	shalt  }
0x47: {  	_ =	shalt  }
0x48: {  	_ =	shalt  }
0x49: {  	_ =	shalt  }
0x4a: {  	_ =	shalt  }
0x4b: {  	_ =	shalt  }
0x4c: {  	_ =	shalt  }
0x4d: {  	_ =	shalt  }
0x4e: {  	_ =	shalt  }
0x4f: {  	_ =	shalt  }
0x50: {  	_ =	shalt  }
0x51: {  	_ =	shalt  }
0x52: {  	_ =	shalt  }
0x53: {  	_ =	shalt  }
0x54: {  	_ =	shalt  }
0x55: {  	_ =	shalt  }
0x56: {  	_ =	shalt  }
0x57: {  	_ =	shalt  }
0x58: {  	_ =	shalt  }
0x59: {  	_ =	shalt  }
0x5a: {  	_ =	shalt  }
0x5b: {  	_ =	shalt  }
0x5c: {  	_ =	shalt  }
0x5d: {  	_ =	shalt  }
0x5e: {  	_ =	shalt  }
0x5f: {  	_ =	shalt  }
0x60: {  	_ =	shalt  }
0x61: {  	_ =	shalt  }
0x62: {  	_ =	shalt  }
0x63: {  	_ =	shalt  }
0x64: {  	_ =	shalt  }
0x65: {  	_ =	shalt  }
0x66: {  	_ =	shalt  }
0x67: {  	_ =	shalt  }
0x68: {  	_ =	shalt  }
0x69: {  	_ =	shalt  }
0x6a: {  	_ =	shalt  }
0x6b: {  	_ =	shalt  }
0x6c: {  	_ =	shalt  }
0x6d: {  	_ =	shalt  }
0x6e: {  	_ =	shalt  }
0x6f: {  	_ =	shalt  }
0x70: {  	_ =	shalt  }
0x71: {  	_ =	shalt  }
0x72: {  	_ =	shalt  }
0x73: {  	_ =	shalt  }
0x74: {  	_ =	shalt  }
0x75: {  	_ =	shalt  }
0x76: {  	_ =	shalt  }
0x77: {  	_ =	shalt  }
0x78: {  	_ =	shalt  }
0x79: {  	_ =	shalt  }
0x7a: {  	_ =	shalt  }
0x7b: {  	_ =	shalt  }
0x7c: {  	_ =	shalt  }
0x7d: {  	_ =	shalt  }
0x7e: {  	_ =	shalt  }
0x7f: {  	_ =	shalt  }
0x80: {  	_ =	shalt  }
0x81: {  	_ =	shalt  }
0x82: {  	_ =	shalt  }
0x83: {  	_ =	shalt  }
0x84: {  	_ =	shalt  }
0x85: {  	_ =	shalt  }
0x86: {  	_ =	shalt  }
0x87: {  	_ =	shalt  }
.Lfunc_end0:
.L_simem_size_0:
called_computation_lowered:
.L_overlay_start_0:
0x88: {  	s2 =	sld [smem:$0x3FD9]  }
0x89: {  	s3 =	sld [smem:$0x3FFE];
	_ =	sdelay $0x1  }
0x8a: {  	s1 =	srdreg.scid  }
0x8b: {  	s0 =	sand.u32 $0x1, s1  }
0x8c: {  	s18 =	sshll.u32 s0, $0xA;
	s2 =	sadd.s32 s3, s2  }
0x8d: {  	s2 =	sadd.s32 s2, s18  }
0x8e: {  	[smem:$0x3FC6] =	sst s2  }
0x8f: {  	_ = 	snop  }
0x90: {  	s2 =	sld [smem:$0x3FC9]  }
0x91: {  	s19 =	sld [smem:$0x3FC8]  }
0x92: {  	s4 =	sld [smem:$0x3FD0];
	(tm) =	ssettm $0x1  }
0x93: {  	s5 =	sld [smem:$0x3FFB];
	_ =	sdelay $0x3  }
0x94: {  	_ =	strace s5  }
0x95: {  	s5 =	sld [smem:$0x3FFC];
	_ =	sdelay $0x3  }
0x96: {  	_ =	strace s5  }
0x97: {  	s5 =	sld [smem:$0x3FFD];
	_ =	sdelay $0x3  }
0x98: {  	_ =	strace s5  }
0x99: {  	_ =	strace $0x8FFFFFFF  }
0x9a: {  	s20 =	sld [smem:$0x3FDB];
	_ =	sdelay $0x1  }
0x9b: {  	s6 =	simm.s32 $_scs_section_size  }
0x9c: {  	s7 =	simm.s32 $_size__tile_overlayer_lowered;
	s8 =	simm.s32 $_tile_overlayer_lowered  }
0x9d: {  	s23 =	simm.s32 $0x1BFF;
	s22 =	sshll.u32 s8, $0x1;
	s5 =	sadd.s32 s6, s20  }
0x9e: {  	s9 =	simm.s32 $0x0;
	s21 =	sshll.u32 s7, $0x1;
	s7 =	sadd.s32 s22, s5  }
0x9f: {  	[timem:s9], [sflag:s23] =	dma.local [hbm:s7], s21  }
0xa0: {  	_ =	swait.ge [sflag:s23], s21  }
0xa1: {  	s6 =	ssub.s32 $0x0, s21;
	[sflag:s23] =	ssyncset.done $0x0  }
0xa2: {  	[sflag:s23] =	ssyncadd.s32 s6;
	_ =	sdelay $0x1  }
0xa3: {  	s24 =	simm.s32 $0x1B8B  }
0xa4: {  	_ =	swait.ge [sflag:s24], $0x1  }
0xa5: {  	[sflag:s24] =	ssyncset.done $0x0  }
0xa6: {  	s25 =	simm.s32 $0x1B8E;
	[sflag:s24] =	ssyncadd.s32 $0xFFFFFFFF  }
0xa7: {  	s26 =	simm.s32 $execute0_lowered;
	[smem:$0x3FD2] =	sst s25  }
0xa8: {  	s6 =	sshll.u32 s26, $0x1;
	_ =	strace $0x80000046;
	[dreg:$0x1] =	wrdreg $0xFFFFFFFF  }
0xa9: {  	s28 =	simm.s32 $_size_execute0_lowered;
	s5 =	sadd.s32 s5, s6;
	[dreg:$0x0] =	wrdreg $0x0  }
0xaa: {  	s6 =	sshll.u32 s28, $0x1;
	[dreg:$0x2] =	wrdreg s5  }
0xab: {  	[dreg:$0x3] =	wrdreg s6  }
0xac: {  	[dreg:$0x4] =	wrdreg $0xC0  }
0xad: {  	_ =	task [dreg:s9], $0x5FFFF  }
0xae: {  	[dreg:$0x1] =	wrdreg $0xFFFFFFFF  }
0xaf: {  	[dreg:$0x0] =	wrdreg $0x60  }
0xb0: {  	[dreg:$0x2] =	wrdreg s2  }
0xb1: {  	[dreg:$0x3] =	wrdreg s19  }
0xb2: {  	[dreg:$0x4] =	wrdreg s4  }
0xb3: {  	[dreg:$0x5] =	wrdreg $0x9  }
0xb4: {  	_ =	task.clear_ibuf [dreg:s9], $0x6FFFF;
	_ =	strace $0x90000046  }
0xb5: {  	s29 =	simm.s32 $0x9;
	_ =	strace $0x80000048  }
0xb6: {  	_ =	swait.ge [sflag:s29], $0x1  }
0xb7: {  	[sflag:s29] =	ssyncadd.s32 $0xFFFFFFFF  }
0xb8: {  	_ =	strace $0x90000048  }
0xb9: {  	_ =	sfence  }
0xba: {  	s30 =	sld [smem:$0x0];
	_ =	sdelay $0x2  }
0xbb: {  	s31 =	sshll.u32 s1, $0xD;
	s1 =	sshrl.u32 s1, $0x2  }
0xbc: {  	s3 =	sand.u32 $0x4000, s31;
	s1 =	sadd.s32 s1, s30  }
0xbd: {  	s0 =	sor.u32 s3, s0;
	s1 =	sshll.u32 s1, $0x11  }
0xbe: {  	s0 =	sor.u32 s1, s0  }
0xbf: {  	s0 =	sadd.s32 $0x8F2B, s0  }
0xc0: {  	[sflag:s0] =	ssyncadd.remote.s32 $0x1  }
0xc1: {  	_ =	sfence.sel $0xFFFF  }
0xc2: {  	[dreg:$0x0] =	wrdreg $0xFFFFFFFF;
	(pc) =	sbr.abs _section_cstart, $3  }
0xc3: {  	[dreg:$0x1] =	wrdreg $0xFFFFFFFF  }
0xc4: {  	_ =	task.clear_ibuf [dreg:s9], $0x2FFFF;
	_ =	strace $0x9FFFFFFF  }
0xc5: {  	(tm) =	ssettm $0x7FFFFFFF  }
tec
execute0_lowered:
.L_overlay_start_1:
0x0: {  	(tag) =	ssettag $0x1  }
0x1: {  	s1 =	srdreg.scid;
	s3 =	rddreg [dreg:$0x1]  }
0x2: {  	s0 =	stileid.u32;
	s4 =	rddreg [dreg:$0x2]  }
0x3: {  	s7 =	simm.s32 $0x1;
	s6 =	sand.u32 $0x1, s1;
	s29 =	sshll.u32 s0, $0x1  }
0x4: {  	s2 =	rddreg [dreg:$0x3];
	s5 =	simm.s32 $0x0;
	s11 =	sor.u32 s6, s29  }
0x5: {  	s8 =	simm.s32 $0xF41400;
	p0 =	seq.s32 s6, $0x1;
	p1 =	seq.s32 s11, $0x0  }
0x6: {  	s12 =	simm.s32 $0x6;
	s13 =	simm.s32 $0x5;
	p1 =	por !p1, !p0  }
0x7: {  	s15 =	simm.s32 $0x8000;
	s1 =	rddreg [dreg:$0x0];
	p1 =	por !p1, !p1  }
0x8: {  	s16 =	simm.s32 $0x0;
	[smem:$0x7FF] =	sst s5;
	s7 =	simm.s32 @!p1 $0x0  }
0x9: {  	s6 =	ssub.s32 $0x2, s6;
	_ =	strace $0x80000047;
	s14 =	ssub.s32 s0, s7  }
0xa: {  	s9 =	sshrl.u32 s6, $0x1;
	s8 =	simm.s32 @!p0 $0x7A0000;
	s7 =	smul.u32 $0xF42800, s14  }
.Ltmp0:
0xb: {  	s30 =	sshll.u32 s11, $0xB;
	s11 =	sor.u32 $0x20, s11;
	(pc) =	sbr.rel .LBB2_1-.Ltmp0, $4  }
0xc: {  	s10 =	ssub.s32 s6, s9;
	s6 =	sadd.s32 s1, s30;
	p0 =	sgt.u32 s0, $0x1  }
0xd: {  	s10 =	smax.u32 s10, $0x1;
	p1 =	sne.s32 s14, $0x1;
	s7 =	sadd.s32 s7, s8  }
0xe: {  	s14 =	simm.s32 $0x7;
	s8 =	sshrl.u32 s8, $0x3;
	s31 =	sshrl.u32 s7, $0x3  }
0xf: {  	s8 =	sadd.s32 s3, s8;
	s7 =	sadd.s32 s1, s31;
	s9 =	sadd.s32 s4, s31  }
.LBB2_11:
0x10: {  	v1 =	vmax.f32 v1, $0.0e+00  }
0x11: {  	v1 =	vadd.f32 $9.999999710e-10, v1;
	_ =	sdelay $0x1  }
0x12: {  	v0 =	vmul.f32 v1, v0;
	_ =	sdelay $0x1  }
0x13: {  	[tilespmem:s21+$0x0] =	vst v0  }
.LBB2_12:
0x14: {  	[hbm4b:s9+s5] =	stream.linear.scatter [tilespmem:s5], [sflag:$0x7], $0x1000, $0x38;
	[tilespmem:$0x10000] =	vst v63  }
0x15: {  	_ =	swait.ge [sflag:s14], $0x1000  }
0x16: {  	[sflag:s14] =	ssyncset.done $0x0  }
0x17: {  	[sflag:s14] =	ssyncadd.s32 $0xFFFFF000  }
.LBB2_13:
0x18: {  	s16 =	sadd.s32 $0x1, s16  }
0x19: {  	p2 =	sne.s32 s16, s10  }
.Ltmp1:
0x1a: {  	_ = 	snop;
	(pc) =	sbr.rel @!p2 .LBB2_14-.Ltmp1, $1  }
0x1b: {  	_ =	sdelay $0x3  }
.LBB2_1:
.Ltmp2:
0x1c: {  	(pc) =	sbr.rel .LBB2_2-.Ltmp2, $3  }
0x1d: {  	_ =	sdelay $0x1  }
0x1e: {  	[tilespmem:s5], [sflag:$0x1] =	stream.linear.gather [hbm4b:s6+s5], $0x4000, $0x38;
	[tilespmem:$0x10000] =	vst v63  }
0x1f: {  	s17 =	smov.u32 s11;
	s18 =	simm.s32 $0x1  }
.LBB2_5:
0x20: {  	s20 =	smulhi.u32 $0x4325C53F, s17;
	_ =	sdelay $0x1  }
0x21: {  	s20 =	sshrl.u32 s20, $0x8  }
0x22: {  	s21 =	smul.u32 $0x3D0, s20;
	_ =	sdelay $0x1  }
0x23: {  	s21 =	ssub.s32 s17, s21  }
0x24: {  	s22 =	sshll.u32 s21, $0xE;
	p2 =	slt.u32 s21, $0x1E8  }
0x25: {  	p3 =	sgt.u32 s21, $0x1E7;
	s21 =	simm.s32 $0x7A1400;
	s23 =	sadd.s32 $0xFF860000, s22  }
0x26: {  	s20 =	smul.u32 $0xF42800, s20;
	s21 =	simm.s32 @!p3 $0x0;
	s23 =	smov.u32 @p2 s22  }
0x27: {  	s31 =	sadd.s32 $0xFFFFFC30, s17;
	s21 =	sadd.s32 s21, s23  }
0x28: {  	s22 =	sand.u32 $0x1, s18;
	p2 =	sgt.u32 s31, $0x3CF;
	s20 =	sadd.s32 s20, s21  }
0x29: {  	s23 =	sshll.u32 s22, $0xE;
	s24 =	sadd.s32 $0x1, s22;
	s20 =	sshrl.u32 s20, $0x3  }
0x2a: {  	s22 =	sadd.s32 @!p2 $0x3, s22;
	s21 =	sshrl.u32 @!p2 s21, $0x3;
	s20 =	sadd.s32 s1, s20  }
0x2b: {  	[tilespmem:s23], [sflag:s24] =	stream.linear.gather [hbm4b:s20+s5], $0x4000, $0x38;
	[tilespmem:$0x10000] =	vst v63  }
0x2c: {  	s21 =	sadd.s32 @!p2 s3, s21;
	s20 =	sor.u32 @!p2 $0x8000, s23;
	s23 =	simm.s32 @!p2 $0x0  }
0x2d: {  	[tilespmem:s20], [sflag:s22] =	stream.linear.gather @!p2 [hbm4b:s21+s23], $0x4000, $0x38;
	[tilespmem:$0x10000] =	vst v63  }
.LBB2_6:
0x2e: {  	s20 =	sadd.s32 $0xFFFFFFE0, s17  }
0x2f: {  	s21 =	smulhi.u32 $0x4325C53F, s20;
	_ =	sdelay $0x1  }
0x30: {  	s21 =	sshrl.u32 s21, $0x8  }
0x31: {  	s22 =	smul.u32 $0x3D0, s21;
	_ =	sdelay $0x1  }
0x32: {  	s25 =	sadd.s32 $0x1, s19;
	s22 =	ssub.s32 s20, s22  }
0x33: {  	_ =	swait.ge [sflag:s25], $0x4000;
	s23 =	sshll.u32 s22, $0xE  }
0x34: {  	s20 =	sadd.s32 $0xFFFFFC30, s20;
	p2 =	slt.u32 s22, $0x1E8;
	s24 =	sadd.s32 $0xFF860000, s23  }
0x35: {  	[sflag:s25] =	ssyncset.done $0x0;
	s24 =	smov.u32 @p2 s23;
	p2 =	sgt.u32 s20, $0x3CF  }
0x36: {  	[sflag:s25] =	ssyncadd.s32 $0xFFFFC000;
	s20 =	sadd.s32 @!p2 $0x3, s19  }
0x37: {  	s18 =	sadd.s32 $0x1, s18;
	s21 =	smul.u32 $0xF42800, s21;
	_ =	swait.ge @!p2 [sflag:s20], $0x4000  }
0x38: {  	p3 =	sgt.u32 s22, $0x1E7;
	s22 =	simm.s32 $0x7A1400;
	[sflag:s20] =	ssyncset.done @!p2 $0x0  }
0x39: {  	s22 =	simm.s32 @!p3 $0x0;
	[sflag:s20] =	ssyncadd.s32 @!p2 $0xFFFFC000;
	p2 =	sne.s32 s18, $0x3E  }
.Ltmp3:
0x3a: {  	s21 =	sadd.s32 s21, s22;
	(pc) =	sbr.rel @!p2 .LBB2_7-.Ltmp3, $4  }
0x3b: {  	s21 =	sadd.s32 s24, s21  }
0x3c: {  	s29 =	sshll.u32 s19, $0xE;
	s21 =	sshrl.u32 s21, $0x3  }
0x3d: {  	s30 =	sadd.s32 $0x5, s19;
	s17 =	sadd.s32 $0x20, s17;
	s31 =	sadd.s32 s4, s21  }
0x3e: {  	[hbm4b:s31+s5] =	stream.linear.scatter [tilespmem:s29], [sflag:s30], $0x4000, $0x38;
	[tilespmem:$0x10000] =	vst v63  }
.LBB2_2:
0x3f: {  	s20 =	sadd.s32 $0xFFFFFFFF, s18  }
0x40: {  	p2 =	seq.s32 s20, $0x0  }
.Ltmp4:
0x41: {  	_ = 	snop;
	(pc) =	sbr.rel @p2 .LBB2_5-.Ltmp4, $2  }
0x42: {  	_ =	sdelay $0x2  }
0x43: {  	s19 =	sand.u32 $0x1, s20  }
0x44: {  	p2 =	seq.s32 s20, $0x3C  }
.Ltmp5:
0x45: {  	_ = 	snop;
	(pc) =	sbr.rel @p2 .LBB2_6-.Ltmp5, $1  }
0x46: {  	_ =	sdelay $0x3  }
.Ltmp6:
0x47: {  	s20 =	sxor.u32 $0x1, s19;
	(pc) =	sbr.rel .LBB2_5-.Ltmp6, $4  }
0x48: {  	s20 =	sadd.s32 $0x5, s20  }
0x49: {  	_ =	swait.ge [sflag:s20], $0x4000  }
0x4a: {  	[sflag:s20] =	ssyncset.done $0x0  }
0x4b: {  	[sflag:s20] =	ssyncadd.s32 $0xFFFFC000  }
.LBB2_7:
0x4c: {  	_ =	swait.ge [sflag:s12], $0x4000  }
.Ltmp7:
0x4d: {  	[sflag:s12] =	ssyncset.done $0x0;
	(pc) =	sbr.rel @p0 .LBB2_13-.Ltmp7, $4  }
0x4e: {  	[sflag:s12] =	ssyncadd.s32 $0xFFFFC000  }
0x4f: {  	_ =	swait.ge [sflag:s13], $0x4000  }
0x50: {  	[sflag:s13] =	ssyncset.done $0x0  }
0x51: {  	[sflag:s13] =	ssyncadd.s32 $0xFFFFC000  }
.Ltmp8:
0x52: {  	(pc) =	sbr.rel @p1 .LBB2_12-.Ltmp8, $4  }
0x53: {  	[tilespmem:s5], [sflag:$0x7] =	stream.linear.gather [hbm4b:s7+s5], $0x1000, $0x38;
	[tilespmem:$0x10000] =	vst v63  }
0x54: {  	_ =	swait.ge [sflag:s14], $0x1000  }
0x55: {  	[sflag:s14] =	ssyncset.done $0x0  }
0x56: {  	[sflag:s14] =	ssyncadd.s32 $0xFFFFF000  }
0x57: {  	s17 =	simm.s32 $0x0  }
0x58: {  	[tilespmem:s15], [sflag:$0x7] =	stream.linear.gather [hbm4b:s8+s17], $0x1000, $0x38;
	[tilespmem:$0x10000] =	vst v63  }
0x59: {  	_ =	swait.ge [sflag:s14], $0x1000  }
0x5a: {  	s18 =	sand.u32 $0x70, s17;
	s19 =	sand.u32 $0xC00, s17;
	[sflag:s14] =	ssyncset.done $0x0  }
0x5b: {  	s18 =	sor.u32 s18, s19;
	[sflag:s14] =	ssyncadd.s32 $0xFFFFF000  }
0x5c: {  	v0 =	vld [tilespmem:s18+$0x8100]  }
0x5d: {  	v1 =	vld [tilespmem:s18+$0x8000]  }
0x5e: {  	v2 =	vld [tilespmem:s18+$0x8080]  }
0x5f: {  	v3 =	vld [tilespmem:s18+$0x100]  }
0x60: {  	v4 =	vld [tilespmem:s18+$0x0]  }
0x61: {  	v5 =	vld [tilespmem:s18+$0x80];
	v0 =	vmax.f32 v0, $0.0e+00  }
0x62: {  	v1 =	vmax.f32 v1, $0.0e+00;
	v0 =	vadd.f32 $9.999999710e-10, v0  }
0x63: {  	v2 =	vmax.f32 v2, $0.0e+00;
	v1 =	vadd.f32 $9.999999710e-10, v1  }
0x64: {  	v2 =	vadd.f32 $9.999999710e-10, v2;
	v0 =	vmul.f32 v0, v3  }
0x65: {  	v1 =	vmul.f32 v1, v4  }
0x66: {  	v2 =	vmul.f32 v2, v5;
	[tilespmem:s18+$0x100] =	vst v0  }
0x67: {  	s19 =	sor.u32 s19, s17;
	[tilespmem:s18+$0x0] =	vst v1  }
0x68: {  	s19 =	sor.u32 $0x180, s19;
	[tilespmem:s18+$0x80] =	vst v2  }
0x69: {  	v0 =	vld [tilespmem:s19+$0x8000];
	_ =	sdelay $0x2  }
0x6a: {  	v1 =	vld [tilespmem:s19+$0x0];
	_ =	sdelay $0x1  }
0x6b: {  	v0 =	vmax.f32 v0, $0.0e+00  }
0x6c: {  	v0 =	vadd.f32 $9.999999710e-10, v0;
	_ =	sdelay $0x1  }
0x6d: {  	v0 =	vmul.f32 v0, v1;
	_ =	sdelay $0x1  }
0x6e: {  	[tilespmem:s19+$0x0] =	vst v0  }
0x6f: {  	v0 =	vld [tilespmem:s18+$0x8300]  }
0x70: {  	v1 =	vld [tilespmem:s18+$0x8200]  }
0x71: {  	v2 =	vld [tilespmem:s18+$0x8280]  }
0x72: {  	v3 =	vld [tilespmem:s18+$0x300]  }
0x73: {  	v62 =	vld [tilespmem:s18+$0x200]  }
0x74: {  	v63 =	vld [tilespmem:s18+$0x280];
	v0 =	vmax.f32 v0, $0.0e+00  }
0x75: {  	v1 =	vmax.f32 v1, $0.0e+00;
	v0 =	vadd.f32 $9.999999710e-10, v0  }
0x76: {  	v2 =	vmax.f32 v2, $0.0e+00;
	v1 =	vadd.f32 $9.999999710e-10, v1  }
0x77: {  	v2 =	vadd.f32 $9.999999710e-10, v2;
	v0 =	vmul.f32 v0, v3  }
0x78: {  	v1 =	vmul.f32 v1, v62  }
0x79: {  	v2 =	vmul.f32 v2, v63;
	[tilespmem:s18+$0x300] =	vst v0  }
0x7a: {  	s31 =	sor.u32 s17, s17;
	[tilespmem:s18+$0x200] =	vst v1  }
0x7b: {  	s21 =	sor.u32 $0x380, s31;
	[tilespmem:s18+$0x280] =	vst v2  }
0x7c: {  	v1 =	vld [tilespmem:s21+$0x8000];
	_ =	sdelay $0x1  }
0x7d: {  	s18 =	simm.s32 $0x10;
	v0 =	vld [tilespmem:s21+$0x0]  }
.LBB2_10:
0x7e: {  	p2 =	sne.s32 s18, $0x1F0  }
0x7f: {  	s17 =	sadd.s32 $0x80, s17;
	s19 =	smov.u32 s18;
	s18 =	sadd.s32 $0x10, s18  }
0x80: {  	v1 =	vmax.f32 v1, $0.0e+00  }
0x81: {  	v1 =	vadd.f32 $9.999999710e-10, v1  }
0x82: {  	s20 =	sand.u32 $0x70, s19;
	s22 =	sand.u32 $0xC00, s17  }
0x83: {  	s20 =	sor.u32 s20, s22;
	s22 =	sor.u32 s22, s19;
	v0 =	vmul.f32 v1, v0;
	_ =	sdelay $0x1  }
0x84: {  	[tilespmem:s21+$0x0] =	vst v0  }
0x85: {  	v0 =	vld [tilespmem:s20+$0x8100]  }
0x86: {  	v1 =	vld [tilespmem:s20+$0x8000]  }
0x87: {  	v2 =	vld [tilespmem:s20+$0x8080]  }
0x88: {  	v3 =	vld [tilespmem:s20+$0x100]  }
0x89: {  	v4 =	vld [tilespmem:s20+$0x0]  }
0x8a: {  	v5 =	vld [tilespmem:s20+$0x80];
	v0 =	vmax.f32 v0, $0.0e+00  }
0x8b: {  	v1 =	vmax.f32 v1, $0.0e+00;
	v0 =	vadd.f32 $9.999999710e-10, v0  }
0x8c: {  	v1 =	vadd.f32 $9.999999710e-10, v1;
	v2 =	vmax.f32 v2, $0.0e+00  }
0x8d: {  	v2 =	vadd.f32 $9.999999710e-10, v2;
	v0 =	vmul.f32 v0, v3  }
0x8e: {  	v1 =	vmul.f32 v1, v4  }
0x8f: {  	v2 =	vmul.f32 v2, v5;
	[tilespmem:s20+$0x100] =	vst v0  }
0x90: {  	[tilespmem:s20+$0x0] =	vst v1  }
0x91: {  	s21 =	sor.u32 $0x180, s22;
	[tilespmem:s20+$0x80] =	vst v2  }
0x92: {  	v0 =	vld [tilespmem:s21+$0x8000];
	_ =	sdelay $0x2  }
0x93: {  	v1 =	vld [tilespmem:s21+$0x0];
	_ =	sdelay $0x1  }
0x94: {  	v0 =	vmax.f32 v0, $0.0e+00  }
0x95: {  	v0 =	vadd.f32 $9.999999710e-10, v0;
	_ =	sdelay $0x1  }
0x96: {  	v0 =	vmul.f32 v0, v1;
	_ =	sdelay $0x1  }
0x97: {  	[tilespmem:s21+$0x0] =	vst v0  }
0x98: {  	v0 =	vld [tilespmem:s20+$0x8300]  }
0x99: {  	v1 =	vld [tilespmem:s20+$0x8200]  }
0x9a: {  	v2 =	vld [tilespmem:s20+$0x8280]  }
0x9b: {  	v3 =	vld [tilespmem:s20+$0x300]  }
0x9c: {  	v4 =	vld [tilespmem:s20+$0x200]  }
0x9d: {  	v5 =	vld [tilespmem:s20+$0x280];
	v0 =	vmax.f32 v0, $0.0e+00  }
0x9e: {  	v1 =	vmax.f32 v1, $0.0e+00;
	v0 =	vadd.f32 $9.999999710e-10, v0  }
0x9f: {  	v1 =	vadd.f32 $9.999999710e-10, v1;
	v2 =	vmax.f32 v2, $0.0e+00  }
0xa0: {  	v2 =	vadd.f32 $9.999999710e-10, v2;
	v0 =	vmul.f32 v0, v3  }
0xa1: {  	v1 =	vmul.f32 v1, v4  }
.Ltmp9:
0xa2: {  	v2 =	vmul.f32 v2, v5;
	[tilespmem:s20+$0x300] =	vst v0;
	(pc) =	sbr.rel @p2 .LBB2_10-.Ltmp9, $4  }
0xa3: {  	s19 =	sor.u32 s17, s19;
	[tilespmem:s20+$0x200] =	vst v1  }
0xa4: {  	s21 =	sor.u32 $0x380, s19;
	[tilespmem:s20+$0x280] =	vst v2  }
0xa5: {  	v1 =	vld [tilespmem:s21+$0x8000]  }
0xa6: {  	v0 =	vld [tilespmem:s21+$0x0]  }
.Ltmp10:
0xa7: {  	_ = 	snop;
	(pc) =	sbr.rel .LBB2_11-.Ltmp10, $1  }
0xa8: {  	_ =	sdelay $0x3  }
.LBB2_14:
0xa9: {  	_ =	sfence.sel $0x180000  }
0xaa: {  	[bflag:$0x0] =	sbarrier.arrive $0xFFFF  }
0xab: {  	p0 =	sne.s32 s0, $0x0;
	_ =	strace $0x90000047  }
0xac: {  	s0 =	sadd.s32 @!p0 $0x100000, s2;
	[bflag:$0x2] =	sbarrier.arrive $0xFFFF  }
0xad: {  	[sflag:s0] =	ssyncadd.tile.s32 @!p0 $0x1;
	_ =	shalt  }
.Lfunc_end2:
_tile_overlayer_lowered:
.L_overlay_start_2:
0xae: {  	(tag) =	ssettag $0x2  }
0xaf: {  	s0 =	rddreg [dreg:$0x0];
	s2 =	stileid.u32  }
0xb0: {  	s1 =	rddreg [dreg:$0x1];
	p0 =	sne.s32 s2, $0x0  }
0xb1: {  	s3 =	rddreg [dreg:$0x2];
	[bflag:$0x3] =	sbarrier.arrive $0xFFFF;
	s2 =	simm.s32 @!p0 $0x1C07  }
0xb2: {  	[timem:s3], [sflag:s2] =	dma.local @!p0 [hbm:s0], s1  }
0xb3: {  	s0 =	simm.s32 @!p0 $0x7  }
0xb4: {  	_ =	swait.ge @!p0 [sflag:s0], s1  }
0xb5: {  	s1 =	ssub.s32 @!p0 $0x0, s1;
	[sflag:s0] =	ssyncset.done @!p0 $0x0  }
0xb6: {  	[sflag:s0] =	ssyncadd.s32 @!p0 s1  }
0xb7: {  	[bflag:$0x3] =	sbarrier.arrive $0xFFFF  }
0xb8: {  	_ =	shalt  }

</sc_bundles>
